<compile_context>
chip_gen: v7x
topology: tpu7x:2x2x1
jax: 0.10.2.dev20260603
libtpu: 0.0.44.dev20260713+nightly
codegen_flags: <defaults>
</compile_context>

<pallas_src>
import functools

import jax
import jax.numpy as jnp
from jax import lax
from jax.experimental import pallas as pl
from jax.experimental.pallas import tpu as pltpu
from jax.experimental.pallas import tpu_sc as plsc

NC = 2
NS = 16
NW = NC * NS
CHUNK = 128

_MESH = dict(core_axis_name="c", subcore_axis_name="s")


def _round_up(a, b):
    return (a + b - 1) // b * b



@functools.lru_cache(maxsize=None)
def _make_sc_deg(C, ND):
    CPW = C // NW
    RPS = ND // NS

    @functools.partial(
        pl.kernel,
        mesh=plsc.VectorSubcoreMesh(**_MESH),
        out_type=jax.ShapeDtypeStruct((NC, ND, 16), jnp.float32),
        scratch_types=[
            pltpu.VMEM((CHUNK,), jnp.int32),
            pltpu.VMEM((CHUNK, 16), jnp.float32),
            pltpu.VMEM((CHUNK, 16), jnp.float32),
            pltpu.VMEM_SHARED((ND, 16), jnp.float32),
        ],
    )
    def _deg(src_hbm, degp_hbm, idx_v, ones_v, zero_v, acc):
        c = lax.axis_index("c")
        s = lax.axis_index("s")
        w = s * NC + c

        def init_row(i, carry):
            ones_v[i] = jnp.full((16,), 1.0, jnp.float32)
            zero_v[i] = jnp.zeros((16,), jnp.float32)
            return carry

        lax.fori_loop(0, CHUNK, init_row, 0)
        for k in range(RPS // CHUNK):
            pltpu.sync_copy(zero_v, acc.at[pl.ds(s * RPS + k * CHUNK, CHUNK)])
        plsc.subcore_barrier()

        def body(i, carry):
            pltpu.sync_copy(src_hbm.at[w * CPW + i], idx_v)
            pltpu.sync_copy(ones_v, acc.at[idx_v], add=True)
            return carry

        lax.fori_loop(0, CPW, body, 0)
        plsc.subcore_barrier()
        pltpu.sync_copy(acc.at[pl.ds(s * RPS, RPS)],
                        degp_hbm.at[c, pl.ds(s * RPS, RPS)])

    return _deg


@functools.lru_cache(maxsize=None)
def _make_sc_agg(C, ND, Nr, Dd):
    CPW = C // NW
    RPS = ND // NS

    @functools.partial(
        pl.kernel,
        mesh=plsc.VectorSubcoreMesh(**_MESH),
        out_type=jax.ShapeDtypeStruct((NC, ND, Dd), jnp.float32),
        scratch_types=[
            pltpu.VMEM((CHUNK,), jnp.int32),
            pltpu.VMEM((CHUNK,), jnp.int32),
            pltpu.VMEM((CHUNK, Dd), jnp.float32),
            pltpu.VMEM((CHUNK, Dd), jnp.float32),
            pltpu.VMEM_SHARED((ND, Dd), jnp.float32),
            pltpu.SemaphoreType.DMA,
        ],
    )
    def _agg(rp_hbm, src_hbm, dst_hbm, out_hbm, sidx_v, didx_v, rows_v,
             zrow_v, acc, sem):
        c = lax.axis_index("c")
        s = lax.axis_index("s")
        w = s * NC + c

        def init_row(i, carry):
            for j in range(Dd // 16):
                zrow_v[i, pl.ds(j * 16, 16)] = jnp.zeros((16,), jnp.float32)
            return carry

        lax.fori_loop(0, CHUNK, init_row, 0)
        for k in range(RPS // CHUNK):
            pltpu.sync_copy(zrow_v, acc.at[pl.ds(s * RPS + k * CHUNK, CHUNK)])
        plsc.subcore_barrier()

        def body(i, carry):
            pltpu.sync_copy(src_hbm.at[w * CPW + i], sidx_v)
            pltpu.sync_copy(dst_hbm.at[w * CPW + i], didx_v)
            pltpu.async_copy(rp_hbm.at[sidx_v], rows_v, sem).wait()
            pltpu.sync_copy(rows_v, acc.at[didx_v], add=True)
            return carry

        lax.fori_loop(0, CPW, body, 0)
        plsc.subcore_barrier()
        pltpu.sync_copy(acc.at[pl.ds(s * RPS, RPS)],
                        out_hbm.at[c, pl.ds(s * RPS, RPS)])

    return _agg



def _ln(h, g, b):
    mu = jnp.mean(h, axis=-1, keepdims=True)
    var = jnp.mean((h - mu) ** 2, axis=-1, keepdims=True)
    return (h - mu) * lax.rsqrt(var + 1e-5) * g + b


def _dinv_from(degp_ref):
    deg = degp_ref[0, :, 0:1] + degp_ref[1, :, 0:1]
    return lax.rsqrt(jnp.maximum(deg, 1.0))


def _tc_in_body(x_ref, w_ref, b_ref, degp_ref, g_ref, lb_ref, h_ref, r_ref):
    h = jax.nn.gelu(jnp.dot(x_ref[...], w_ref[...],
                            preferred_element_type=jnp.float32) + b_ref[...])
    h_ref[...] = h
    r_ref[...] = _ln(h, g_ref[...], lb_ref[...]) * _dinv_from(degp_ref)


def _tc_mid_body(h_ref, yp_ref, degp_ref, w1_ref, b1_ref, w2_ref, b2_ref,
                 g_ref, lb_ref, hn_ref, rn_ref):
    dinv = _dinv_from(degp_ref)
    y = (yp_ref[0] + yp_ref[1]) * dinv
    t = jax.nn.gelu(jnp.dot(y, w1_ref[...],
                            preferred_element_type=jnp.float32) + b1_ref[...])
    t = jnp.dot(t, w2_ref[...], preferred_element_type=jnp.float32) + b2_ref[...]
    hn = h_ref[...] + t
    hn_ref[...] = hn
    rn_ref[...] = _ln(hn, g_ref[...], lb_ref[...]) * dinv


def _tc_out_body(h_ref, yp_ref, degp_ref, w1_ref, b1_ref, w2_ref, b2_ref,
                 g_ref, lb_ref, wo_ref, bo_ref, o_ref):
    dinv = _dinv_from(degp_ref)
    y = (yp_ref[0] + yp_ref[1]) * dinv
    t = jax.nn.gelu(jnp.dot(y, w1_ref[...],
                            preferred_element_type=jnp.float32) + b1_ref[...])
    t = jnp.dot(t, w2_ref[...], preferred_element_type=jnp.float32) + b2_ref[...]
    hn = h_ref[...] + t
    z = jnp.dot(_ln(hn, g_ref[...], lb_ref[...]), wo_ref[...],
                preferred_element_type=jnp.float32) + bo_ref[...]
    o_ref[...] = jax.nn.sigmoid(z)


def _row_spec(B, Dd):
    return pl.BlockSpec((B, Dd), lambda i: (i, 0))


def _full_spec(shape):
    nd = len(shape)
    return pl.BlockSpec(shape, lambda i, _n=nd: (0,) * _n)


def _degp_spec(B):
    return pl.BlockSpec((NC, B, 16), lambda i: (0, i, 0))


def _yp_spec(B, Dd):
    return pl.BlockSpec((NC, B, Dd), lambda i: (0, i, 0))


def _tc_in(x, W, b, degp, g, lb, B):
    Nn, Dd = x.shape
    grid = (Nn // B,)
    return pl.pallas_call(
        _tc_in_body,
        grid=grid,
        in_specs=[_row_spec(B, Dd), _full_spec(W.shape), _full_spec(b.shape),
                  _degp_spec(B), _full_spec(g.shape), _full_spec(lb.shape)],
        out_specs=[_row_spec(B, Dd), _row_spec(B, Dd)],
        out_shape=[jax.ShapeDtypeStruct((Nn, Dd), jnp.float32),
                   jax.ShapeDtypeStruct((Nn, Dd), jnp.float32)],
    )(x, W, b, degp, g, lb)


def _tc_mid(h, yp, degp, W1l, b1l, W2l, b2l, g, lb, B):
    Nn, Dd = h.shape
    grid = (Nn // B,)
    return pl.pallas_call(
        _tc_mid_body,
        grid=grid,
        in_specs=[_row_spec(B, Dd), _yp_spec(B, Dd), _degp_spec(B),
                  _full_spec(W1l.shape), _full_spec(b1l.shape),
                  _full_spec(W2l.shape), _full_spec(b2l.shape),
                  _full_spec(g.shape), _full_spec(lb.shape)],
        out_specs=[_row_spec(B, Dd), _row_spec(B, Dd)],
        out_shape=[jax.ShapeDtypeStruct((Nn, Dd), jnp.float32),
                   jax.ShapeDtypeStruct((Nn, Dd), jnp.float32)],
    )(h, yp, degp, W1l, b1l, W2l, b2l, g, lb)


def _tc_out(h, yp, degp, W1l, b1l, W2l, b2l, g, lb, Wo, bo, B):
    Nn, Dd = h.shape
    grid = (Nn // B,)
    return pl.pallas_call(
        _tc_out_body,
        grid=grid,
        in_specs=[_row_spec(B, Dd), _yp_spec(B, Dd), _degp_spec(B),
                  _full_spec(W1l.shape), _full_spec(b1l.shape),
                  _full_spec(W2l.shape), _full_spec(b2l.shape),
                  _full_spec(g.shape), _full_spec(lb.shape),
                  _full_spec(Wo.shape), _full_spec(bo.shape)],
        out_specs=[_row_spec(B, Dd)],
        out_shape=[jax.ShapeDtypeStruct((Nn, Dd), jnp.float32)],
    )(h, yp, degp, W1l, b1l, W2l, b2l, g, lb, Wo, bo)[0]



def kernel(x, edge_index, W_in, b_in, ln_g, ln_b, W1, b1, W2, b2,
           g_out, b_out, W_out, bo):
    Nn, Dd = x.shape
    E = edge_index.shape[1]
    L = W1.shape[0]
    ND = _round_up(Nn, NS * CHUNK)
    DUMMY = Nn
    B = 1000 if Nn % 1000 == 0 else 8

    src = edge_index[0]
    dst = edge_index[1]
    E_pad = _round_up(E, NW * CHUNK)
    pad = E_pad - E
    src_g = jnp.concatenate([src, jnp.zeros((pad,), jnp.int32)])
    dst_p = jnp.concatenate([dst, jnp.full((pad,), DUMMY, jnp.int32)])
    src_d = jnp.concatenate([src, jnp.full((pad,), DUMMY, jnp.int32)])
    src2d = src_g.reshape(-1, CHUNK)
    dst2d = dst_p.reshape(-1, CHUNK)
    srcd2d = src_d.reshape(-1, CHUNK)
    C = src2d.shape[0]

    degp = _make_sc_deg(C, ND)(srcd2d)

    h, r = _tc_in(x, W_in, b_in, degp, ln_g[0], ln_b[0], B)
    agg = _make_sc_agg(C, ND, Nn, Dd)
    for l in range(L):
        yp = agg(r, src2d, dst2d)
        if l + 1 < L:
            h, r = _tc_mid(h, yp, degp, W1[l], b1[l], W2[l], b2[l],
                           ln_g[l + 1], ln_b[l + 1], B)
        else:
            out = _tc_out(h, yp, degp, W1[l], b1[l], W2[l], b2[l],
                          g_out, b_out, W_out, bo, B)
    return out

# --- scband reference (transcript-rebuilt; emitter-appended) ---
"""Pipeline reference for scband-model-17523466567701 (READ-ONLY COPY).

The authoritative reference and input builder live on the scoring server;
editing this copy changes nothing except your own understanding.
"""

import jax, jax.numpy as jnp
import numpy as np

N = 10000
E = 320000
D = 128
L = 2

def _param(key, shape, scale=0.05):
    return jax.random.normal(key, shape, dtype=jnp.float32) * scale

def setup_inputs(seed: int = 0) -> dict:
    key = jax.random.key(seed)
    ks = jax.random.split(key, 16)
    inp = {}
    inp['x'] = jax.random.normal(ks[0], (N, D), dtype=jnp.float32)
    inp['edge_index'] = jax.random.randint(ks[1], (2, E), 0, N, dtype=jnp.int32)
    inp['W_in'] = _param(ks[2], (D, D))
    inp['b_in'] = jnp.zeros((D,), jnp.float32)
    inp['ln_g'] = jnp.ones((L, D), jnp.float32)
    inp['ln_b'] = jnp.zeros((L, D), jnp.float32)
    inp['W1'] = _param(ks[3], (L, D, D))
    inp['b1'] = jnp.zeros((L, D), jnp.float32)
    inp['W2'] = _param(ks[4], (L, D, D))
    inp['b2'] = jnp.zeros((L, D), jnp.float32)
    inp['g_out'] = jnp.ones((D,), jnp.float32)
    inp['b_out'] = jnp.zeros((D,), jnp.float32)
    inp['W_out'] = _param(ks[5], (D, D))
    inp['bo'] = jnp.zeros((D,), jnp.float32)
    return inp

def _layer_norm(x, g, b):
    mu = jnp.mean(x, axis=-1, keepdims=True)
    var = jnp.var(x, axis=-1, keepdims=True)
    return (x - mu) / jnp.sqrt(var + 1e-5) * g + b

def _gcn_aggregate(h, src, dst):
    # symmetric degree normalization (GCN-style), scatter-add over edges
    deg = jnp.zeros((h.shape[0],), h.dtype).at[src].add(1.0)
    deg = jnp.maximum(deg, 1.0)
    norm = 1.0 / jnp.sqrt(deg[src] * deg[dst])
    msgs = jnp.take(h, src, axis=0) * norm[:, None]
    return jnp.zeros_like(h).at[dst].add(msgs)

def _forward(x, edge_index, W_in, b_in, ln_g, ln_b, W1, b1, W2, b2, g_out, b_out, W_out, bo):
    src, dst = edge_index[0], edge_index[1]
    h = jax.nn.gelu(x @ W_in + b_in)  # input_linear -> dropout(0) -> GELU
    for l in range(L):
        # ResidualModuleWrapper: norm -> GCN message passing -> feed-forward -> residual add
        r = _layer_norm(h, ln_g[l], ln_b[l])
        r = _gcn_aggregate(r, src, dst)
        r = jax.nn.gelu(r @ W1[l] + b1[l])
        r = r @ W2[l] + b2[l]
        h = h + r
    h = _layer_norm(h, g_out, b_out)
    h = h @ W_out + bo
    return jax.nn.sigmoid(h)

def reference(x, edge_index, W_in, b_in, ln_g, ln_b, W1, b1, W2, b2, g_out, b_out, W_out, bo):
    return _forward(x, edge_index, W_in, b_in, ln_g, ln_b, W1, b1, W2, b2, g_out, b_out, W_out, bo)

if __name__ == "__main__":
    import jax
    _d = setup_inputs()
    print(jax.jit(kernel)(*tuple(_d.values())))

</pallas_src>

<mosaic_0001>
#map = affine_map<(d0, d1) -> (0, 0)>
#map1 = affine_map<(d0, d1) -> (0, 0, 0)>
module attributes {stable_mosaic.version = 14 : i64} {
  func.func @_agg(%arg0: i32, %arg1: i32, %arg2: memref<10000x128xf32, #tpu.memory_space<hbm>>, %arg3: memref<2528x128xi32, #tpu.memory_space<hbm>>, %arg4: memref<2528x128xi32, #tpu.memory_space<hbm>>, %arg5: memref<2x10240x128xf32, #tpu.memory_space<hbm>>, %arg6: memref<128xi32, #tpu.memory_space<vmem>>, %arg7: memref<128xi32, #tpu.memory_space<vmem>>, %arg8: memref<128x128xf32, #tpu.memory_space<vmem>>, %arg9: memref<128x128xf32, #tpu.memory_space<vmem>>, %arg10: memref<10240x128xf32, #tpu.memory_space<vmem_shared>>, %arg11: memref<!tpu.dma_semaphore, #tpu.memory_space<semaphore_mem>>) attributes {dimension_semantics = [#tpu.dimension_semantics<core_parallel>, #tpu.dimension_semantics<subcore_parallel>], iteration_bounds = array<i64: 2, 16>, scalar_prefetch = 0 : i64, scratch_operands = 6 : i64, tpu.core_type = #tpu.core_type<sc_vector_subcore>, window_params = [{transform_indices = #map}, {transform_indices = #map}, {transform_indices = #map}, {transform_indices = #map1}]} {
    %mul3A = arith.constant 2 : i32
    %mul3A_0 = arith.muli %arg1, %mul3A : i32
    %add3A = arith.addi %mul3A_0, %arg0 : i32
    %scan3A = arith.constant 0 : i32
    %scan3A_1 = arith.constant 0 : i32
    %scan3A_2 = arith.constant 128 : i32
    %scan3A_3 = arith.addi %scan3A_1, %scan3A_2 : i32
    %scan3A_4 = arith.constant 1 : i32
    scf.for %scan3A_37 = %scan3A_1 to %scan3A_3 step %scan3A_4  : i32 {
      %broadcast_in_dim3A = arith.constant 0.000000e+00 : f32
      %broadcast_in_dim3A_38 = vector.broadcast %broadcast_in_dim3A : f32 to vector<16xf32>
      %swap3A = arith.index_cast %scan3A_37 : i32 to index
      %swap3A_39 = arith.constant 0 : index
      %swap3A_40 = tpu.vector_load %arg9[%swap3A, %swap3A_39] {strides = array<i32>} : memref<128x128xf32, #tpu.memory_space<vmem>>, vector<1x16xf32>,
      %swap3A_41 = vector.shape_cast %swap3A_40 : vector<1x16xf32> to vector<16xf32>
      %swap3A_42 = vector.shape_cast %broadcast_in_dim3A_38 : vector<16xf32> to vector<1x16xf32>
      tpu.vector_store %arg9[%swap3A, %swap3A_39], %swap3A_42 {strides = array<i32>} : memref<128x128xf32, #tpu.memory_space<vmem>>, vector<1x16xf32>,
      %broadcast_in_dim3A_43 = arith.constant 0.000000e+00 : f32
      %broadcast_in_dim3A_44 = vector.broadcast %broadcast_in_dim3A_43 : f32 to vector<16xf32>
      %swap3A_45 = arith.index_cast %scan3A_37 : i32 to index
      %swap3A_46 = arith.constant 16 : index
      %swap3A_47 = tpu.vector_load %arg9[%swap3A_45, %swap3A_46] {strides = array<i32>} : memref<128x128xf32, #tpu.memory_space<vmem>>, vector<1x16xf32>,
      %swap3A_48 = vector.shape_cast %swap3A_47 : vector<1x16xf32> to vector<16xf32>
      %swap3A_49 = vector.shape_cast %broadcast_in_dim3A_44 : vector<16xf32> to vector<1x16xf32>
      tpu.vector_store %arg9[%swap3A_45, %swap3A_46], %swap3A_49 {strides = array<i32>} : memref<128x128xf32, #tpu.memory_space<vmem>>, vector<1x16xf32>,
      %broadcast_in_dim3A_50 = arith.constant 0.000000e+00 : f32
      %broadcast_in_dim3A_51 = vector.broadcast %broadcast_in_dim3A_50 : f32 to vector<16xf32>
      %swap3A_52 = arith.index_cast %scan3A_37 : i32 to index
      %swap3A_53 = arith.constant 32 : index
      %swap3A_54 = tpu.vector_load %arg9[%swap3A_52, %swap3A_53] {strides = array<i32>} : memref<128x128xf32, #tpu.memory_space<vmem>>, vector<1x16xf32>,
      %swap3A_55 = vector.shape_cast %swap3A_54 : vector<1x16xf32> to vector<16xf32>
      %swap3A_56 = vector.shape_cast %broadcast_in_dim3A_51 : vector<16xf32> to vector<1x16xf32>
      tpu.vector_store %arg9[%swap3A_52, %swap3A_53], %swap3A_56 {strides = array<i32>} : memref<128x128xf32, #tpu.memory_space<vmem>>, vector<1x16xf32>,
      %broadcast_in_dim3A_57 = arith.constant 0.000000e+00 : f32
      %broadcast_in_dim3A_58 = vector.broadcast %broadcast_in_dim3A_57 : f32 to vector<16xf32>
      %swap3A_59 = arith.index_cast %scan3A_37 : i32 to index
      %swap3A_60 = arith.constant 48 : index
      %swap3A_61 = tpu.vector_load %arg9[%swap3A_59, %swap3A_60] {strides = array<i32>} : memref<128x128xf32, #tpu.memory_space<vmem>>, vector<1x16xf32>,
      %swap3A_62 = vector.shape_cast %swap3A_61 : vector<1x16xf32> to vector<16xf32>
      %swap3A_63 = vector.shape_cast %broadcast_in_dim3A_58 : vector<16xf32> to vector<1x16xf32>
      tpu.vector_store %arg9[%swap3A_59, %swap3A_60], %swap3A_63 {strides = array<i32>} : memref<128x128xf32, #tpu.memory_space<vmem>>, vector<1x16xf32>,
      %broadcast_in_dim3A_64 = arith.constant 0.000000e+00 : f32
      %broadcast_in_dim3A_65 = vector.broadcast %broadcast_in_dim3A_64 : f32 to vector<16xf32>
      %swap3A_66 = arith.index_cast %scan3A_37 : i32 to index
      %swap3A_67 = arith.constant 64 : index
      %swap3A_68 = tpu.vector_load %arg9[%swap3A_66, %swap3A_67] {strides = array<i32>} : memref<128x128xf32, #tpu.memory_space<vmem>>, vector<1x16xf32>,
      %swap3A_69 = vector.shape_cast %swap3A_68 : vector<1x16xf32> to vector<16xf32>
      %swap3A_70 = vector.shape_cast %broadcast_in_dim3A_65 : vector<16xf32> to vector<1x16xf32>
      tpu.vector_store %arg9[%swap3A_66, %swap3A_67], %swap3A_70 {strides = array<i32>} : memref<128x128xf32, #tpu.memory_space<vmem>>, vector<1x16xf32>,
      %broadcast_in_dim3A_71 = arith.constant 0.000000e+00 : f32
      %broadcast_in_dim3A_72 = vector.broadcast %broadcast_in_dim3A_71 : f32 to vector<16xf32>
      %swap3A_73 = arith.index_cast %scan3A_37 : i32 to index
      %swap3A_74 = arith.constant 80 : index
      %swap3A_75 = tpu.vector_load %arg9[%swap3A_73, %swap3A_74] {strides = array<i32>} : memref<128x128xf32, #tpu.memory_space<vmem>>, vector<1x16xf32>,
      %swap3A_76 = vector.shape_cast %swap3A_75 : vector<1x16xf32> to vector<16xf32>
      %swap3A_77 = vector.shape_cast %broadcast_in_dim3A_72 : vector<16xf32> to vector<1x16xf32>
      tpu.vector_store %arg9[%swap3A_73, %swap3A_74], %swap3A_77 {strides = array<i32>} : memref<128x128xf32, #tpu.memory_space<vmem>>, vector<1x16xf32>,
      %broadcast_in_dim3A_78 = arith.constant 0.000000e+00 : f32
      %broadcast_in_dim3A_79 = vector.broadcast %broadcast_in_dim3A_78 : f32 to vector<16xf32>
      %swap3A_80 = arith.index_cast %scan3A_37 : i32 to index
      %swap3A_81 = arith.constant 96 : index
      %swap3A_82 = tpu.vector_load %arg9[%swap3A_80, %swap3A_81] {strides = array<i32>} : memref<128x128xf32, #tpu.memory_space<vmem>>, vector<1x16xf32>,
      %swap3A_83 = vector.shape_cast %swap3A_82 : vector<1x16xf32> to vector<16xf32>
      %swap3A_84 = vector.shape_cast %broadcast_in_dim3A_79 : vector<16xf32> to vector<1x16xf32>
      tpu.vector_store %arg9[%swap3A_80, %swap3A_81], %swap3A_84 {strides = array<i32>} : memref<128x128xf32, #tpu.memory_space<vmem>>, vector<1x16xf32>,
      %broadcast_in_dim3A_85 = arith.constant 0.000000e+00 : f32
      %broadcast_in_dim3A_86 = vector.broadcast %broadcast_in_dim3A_85 : f32 to vector<16xf32>
      %swap3A_87 = arith.index_cast %scan3A_37 : i32 to index
      %swap3A_88 = arith.constant 112 : index
      %swap3A_89 = tpu.vector_load %arg9[%swap3A_87, %swap3A_88] {strides = array<i32>} : memref<128x128xf32, #tpu.memory_space<vmem>>, vector<1x16xf32>,
      %swap3A_90 = vector.shape_cast %swap3A_89 : vector<1x16xf32> to vector<16xf32>
      %swap3A_91 = vector.shape_cast %broadcast_in_dim3A_86 : vector<16xf32> to vector<1x16xf32>
      tpu.vector_store %arg9[%swap3A_87, %swap3A_88], %swap3A_91 {strides = array<i32>} : memref<128x128xf32, #tpu.memory_space<vmem>>, vector<1x16xf32>,
    }
    %scan3A_5 = arith.constant 128 : i32
    %mul3A_6 = arith.constant 640 : i32
    %mul3A_7 = arith.muli %arg1, %mul3A_6 : i32
    %add3A_8 = arith.constant 0 : i32
    %add3A_9 = arith.addi %mul3A_7, %add3A_8 : i32
    "tpu.region"() ({
      %run_scoped3A = tpu.sem_alloc : memref<!tpu.dma_semaphore, #tpu.memory_space<semaphore_mem>>
      %dma_start3A = arith.constant 0 : i32
      %dma_start3A_37 = tpu.memref_slice %arg10[%add3A_9, %dma_start3A] : memref<10240x128xf32, #tpu.memory_space<vmem_shared>> -> memref<128x128xf32, #tpu.memory_space<vmem_shared>>
      %dma_start3A_38 = arith.constant 0 : i32
      %dma_start3A_39 = tpu.memref_slice %arg10[%add3A_9, %dma_start3A_38] : memref<10240x128xf32, #tpu.memory_space<vmem_shared>> -> memref<128x128xf32, #tpu.memory_space<vmem_shared>>
      tpu.enqueue_dma source(%arg9 : memref<128x128xf32, #tpu.memory_space<vmem>>) target(%dma_start3A_39 : memref<128x128xf32, #tpu.memory_space<vmem_shared>>) target_semaphore(%run_scoped3A : memref<!tpu.dma_semaphore, #tpu.memory_space<semaphore_mem>>)
      %dma_wait3A = arith.constant 0 : i32
      %dma_wait3A_40 = tpu.memref_slice %arg10[%add3A_9, %dma_wait3A] : memref<10240x128xf32, #tpu.memory_space<vmem_shared>> -> memref<128x128xf32, #tpu.memory_space<vmem_shared>>
      %dma_wait3A_41 = arith.constant 0 : i32
      %dma_wait3A_42 = tpu.memref_slice %arg10[%add3A_9, %dma_wait3A_41] : memref<10240x128xf32, #tpu.memory_space<vmem_shared>> -> memref<128x128xf32, #tpu.memory_space<vmem_shared>>
      tpu.wait_dma2 semaphore(%run_scoped3A : memref<!tpu.dma_semaphore, #tpu.memory_space<semaphore_mem>>) src(%arg9 : memref<128x128xf32, #tpu.memory_space<vmem>>) dst(%dma_wait3A_42 : memref<128x128xf32, #tpu.memory_space<vmem_shared>>)
      tpu.yield
    }) : () -> ()
    %mul3A_10 = arith.constant 640 : i32
    %mul3A_11 = arith.muli %arg1, %mul3A_10 : i32
    %add3A_12 = arith.constant 128 : i32
    %add3A_13 = arith.addi %mul3A_11, %add3A_12 : i32
    "tpu.region"() ({
      %run_scoped3A = tpu.sem_alloc : memref<!tpu.dma_semaphore, #tpu.memory_space<semaphore_mem>>
      %dma_start3A = arith.constant 0 : i32
      %dma_start3A_37 = tpu.memref_slice %arg10[%add3A_13, %dma_start3A] : memref<10240x128xf32, #tpu.memory_space<vmem_shared>> -> memref<128x128xf32, #tpu.memory_space<vmem_shared>>
      %dma_start3A_38 = arith.constant 0 : i32
      %dma_start3A_39 = tpu.memref_slice %arg10[%add3A_13, %dma_start3A_38] : memref<10240x128xf32, #tpu.memory_space<vmem_shared>> -> memref<128x128xf32, #tpu.memory_space<vmem_shared>>
      tpu.enqueue_dma source(%arg9 : memref<128x128xf32, #tpu.memory_space<vmem>>) target(%dma_start3A_39 : memref<128x128xf32, #tpu.memory_space<vmem_shared>>) target_semaphore(%run_scoped3A : memref<!tpu.dma_semaphore, #tpu.memory_space<semaphore_mem>>)
      %dma_wait3A = arith.constant 0 : i32
      %dma_wait3A_40 = tpu.memref_slice %arg10[%add3A_13, %dma_wait3A] : memref<10240x128xf32, #tpu.memory_space<vmem_shared>> -> memref<128x128xf32, #tpu.memory_space<vmem_shared>>
      %dma_wait3A_41 = arith.constant 0 : i32
      %dma_wait3A_42 = tpu.memref_slice %arg10[%add3A_13, %dma_wait3A_41] : memref<10240x128xf32, #tpu.memory_space<vmem_shared>> -> memref<128x128xf32, #tpu.memory_space<vmem_shared>>
      tpu.wait_dma2 semaphore(%run_scoped3A : memref<!tpu.dma_semaphore, #tpu.memory_space<semaphore_mem>>) src(%arg9 : memref<128x128xf32, #tpu.memory_space<vmem>>) dst(%dma_wait3A_42 : memref<128x128xf32, #tpu.memory_space<vmem_shared>>)
      tpu.yield
    }) : () -> ()
    %mul3A_14 = arith.constant 640 : i32
    %mul3A_15 = arith.muli %arg1, %mul3A_14 : i32
    %add3A_16 = arith.constant 256 : i32
    %add3A_17 = arith.addi %mul3A_15, %add3A_16 : i32
    "tpu.region"() ({
      %run_scoped3A = tpu.sem_alloc : memref<!tpu.dma_semaphore, #tpu.memory_space<semaphore_mem>>
      %dma_start3A = arith.constant 0 : i32
      %dma_start3A_37 = tpu.memref_slice %arg10[%add3A_17, %dma_start3A] : memref<10240x128xf32, #tpu.memory_space<vmem_shared>> -> memref<128x128xf32, #tpu.memory_space<vmem_shared>>
      %dma_start3A_38 = arith.constant 0 : i32
      %dma_start3A_39 = tpu.memref_slice %arg10[%add3A_17, %dma_start3A_38] : memref<10240x128xf32, #tpu.memory_space<vmem_shared>> -> memref<128x128xf32, #tpu.memory_space<vmem_shared>>
      tpu.enqueue_dma source(%arg9 : memref<128x128xf32, #tpu.memory_space<vmem>>) target(%dma_start3A_39 : memref<128x128xf32, #tpu.memory_space<vmem_shared>>) target_semaphore(%run_scoped3A : memref<!tpu.dma_semaphore, #tpu.memory_space<semaphore_mem>>)
      %dma_wait3A = arith.constant 0 : i32
      %dma_wait3A_40 = tpu.memref_slice %arg10[%add3A_17, %dma_wait3A] : memref<10240x128xf32, #tpu.memory_space<vmem_shared>> -> memref<128x128xf32, #tpu.memory_space<vmem_shared>>
      %dma_wait3A_41 = arith.constant 0 : i32
      %dma_wait3A_42 = tpu.memref_slice %arg10[%add3A_17, %dma_wait3A_41] : memref<10240x128xf32, #tpu.memory_space<vmem_shared>> -> memref<128x128xf32, #tpu.memory_space<vmem_shared>>
      tpu.wait_dma2 semaphore(%run_scoped3A : memref<!tpu.dma_semaphore, #tpu.memory_space<semaphore_mem>>) src(%arg9 : memref<128x128xf32, #tpu.memory_space<vmem>>) dst(%dma_wait3A_42 : memref<128x128xf32, #tpu.memory_space<vmem_shared>>)
      tpu.yield
    }) : () -> ()
    %mul3A_18 = arith.constant 640 : i32
    %mul3A_19 = arith.muli %arg1, %mul3A_18 : i32
    %add3A_20 = arith.constant 384 : i32
    %add3A_21 = arith.addi %mul3A_19, %add3A_20 : i32
    "tpu.region"() ({
      %run_scoped3A = tpu.sem_alloc : memref<!tpu.dma_semaphore, #tpu.memory_space<semaphore_mem>>
      %dma_start3A = arith.constant 0 : i32
      %dma_start3A_37 = tpu.memref_slice %arg10[%add3A_21, %dma_start3A] : memref<10240x128xf32, #tpu.memory_space<vmem_shared>> -> memref<128x128xf32, #tpu.memory_space<vmem_shared>>
      %dma_start3A_38 = arith.constant 0 : i32
      %dma_start3A_39 = tpu.memref_slice %arg10[%add3A_21, %dma_start3A_38] : memref<10240x128xf32, #tpu.memory_space<vmem_shared>> -> memref<128x128xf32, #tpu.memory_space<vmem_shared>>
      tpu.enqueue_dma source(%arg9 : memref<128x128xf32, #tpu.memory_space<vmem>>) target(%dma_start3A_39 : memref<128x128xf32, #tpu.memory_space<vmem_shared>>) target_semaphore(%run_scoped3A : memref<!tpu.dma_semaphore, #tpu.memory_space<semaphore_mem>>)
      %dma_wait3A = arith.constant 0 : i32
      %dma_wait3A_40 = tpu.memref_slice %arg10[%add3A_21, %dma_wait3A] : memref<10240x128xf32, #tpu.memory_space<vmem_shared>> -> memref<128x128xf32, #tpu.memory_space<vmem_shared>>
      %dma_wait3A_41 = arith.constant 0 : i32
      %dma_wait3A_42 = tpu.memref_slice %arg10[%add3A_21, %dma_wait3A_41] : memref<10240x128xf32, #tpu.memory_space<vmem_shared>> -> memref<128x128xf32, #tpu.memory_space<vmem_shared>>
      tpu.wait_dma2 semaphore(%run_scoped3A : memref<!tpu.dma_semaphore, #tpu.memory_space<semaphore_mem>>) src(%arg9 : memref<128x128xf32, #tpu.memory_space<vmem>>) dst(%dma_wait3A_42 : memref<128x128xf32, #tpu.memory_space<vmem_shared>>)
      tpu.yield
    }) : () -> ()
    %mul3A_22 = arith.constant 640 : i32
    %mul3A_23 = arith.muli %arg1, %mul3A_22 : i32
    %add3A_24 = arith.constant 512 : i32
    %add3A_25 = arith.addi %mul3A_23, %add3A_24 : i32
    "tpu.region"() ({
      %run_scoped3A = tpu.sem_alloc : memref<!tpu.dma_semaphore, #tpu.memory_space<semaphore_mem>>
      %dma_start3A = arith.constant 0 : i32
      %dma_start3A_37 = tpu.memref_slice %arg10[%add3A_25, %dma_start3A] : memref<10240x128xf32, #tpu.memory_space<vmem_shared>> -> memref<128x128xf32, #tpu.memory_space<vmem_shared>>
      %dma_start3A_38 = arith.constant 0 : i32
      %dma_start3A_39 = tpu.memref_slice %arg10[%add3A_25, %dma_start3A_38] : memref<10240x128xf32, #tpu.memory_space<vmem_shared>> -> memref<128x128xf32, #tpu.memory_space<vmem_shared>>
      tpu.enqueue_dma source(%arg9 : memref<128x128xf32, #tpu.memory_space<vmem>>) target(%dma_start3A_39 : memref<128x128xf32, #tpu.memory_space<vmem_shared>>) target_semaphore(%run_scoped3A : memref<!tpu.dma_semaphore, #tpu.memory_space<semaphore_mem>>)
      %dma_wait3A = arith.constant 0 : i32
      %dma_wait3A_40 = tpu.memref_slice %arg10[%add3A_25, %dma_wait3A] : memref<10240x128xf32, #tpu.memory_space<vmem_shared>> -> memref<128x128xf32, #tpu.memory_space<vmem_shared>>
      %dma_wait3A_41 = arith.constant 0 : i32
      %dma_wait3A_42 = tpu.memref_slice %arg10[%add3A_25, %dma_wait3A_41] : memref<10240x128xf32, #tpu.memory_space<vmem_shared>> -> memref<128x128xf32, #tpu.memory_space<vmem_shared>>
      tpu.wait_dma2 semaphore(%run_scoped3A : memref<!tpu.dma_semaphore, #tpu.memory_space<semaphore_mem>>) src(%arg9 : memref<128x128xf32, #tpu.memory_space<vmem>>) dst(%dma_wait3A_42 : memref<128x128xf32, #tpu.memory_space<vmem_shared>>)
      tpu.yield
    }) : () -> ()
    %barrier3A = arith.constant 0 : index
    tpu.barrier barrier_id(%barrier3A)
    %scan3A_26 = arith.constant 0 : i32
    %scan3A_27 = arith.constant 0 : i32
    %scan3A_28 = arith.constant 79 : i32
    %scan3A_29 = arith.addi %scan3A_27, %scan3A_28 : i32
    %scan3A_30 = arith.constant 1 : i32
    scf.for %scan3A_37 = %scan3A_27 to %scan3A_29 step %scan3A_30  : i32 {
      %mul3A_38 = arith.constant 79 : i32
      %mul3A_39 = arith.muli %add3A, %mul3A_38 : i32
      %add3A_40 = arith.addi %mul3A_39, %scan3A_37 : i32
      "tpu.region"() ({
        %run_scoped3A = tpu.sem_alloc : memref<!tpu.dma_semaphore, #tpu.memory_space<semaphore_mem>>
        %dma_start3A_48 = arith.constant 0 : i32
        %dma_start3A_49 = tpu.memref_slice %arg3[%add3A_40, %dma_start3A_48] : memref<2528x128xi32, #tpu.memory_space<hbm>> -> memref<1x128xi32, #tpu.memory_space<hbm>>
        %dma_start3A_50 = tpu.memref_squeeze %dma_start3A_49 : memref<1x128xi32, #tpu.memory_space<hbm>> -> memref<128xi32, #tpu.memory_space<hbm>>
        %dma_start3A_51 = arith.constant 0 : i32
        %dma_start3A_52 = tpu.memref_slice %arg3[%add3A_40, %dma_start3A_51] : memref<2528x128xi32, #tpu.memory_space<hbm>> -> memref<1x128xi32, #tpu.memory_space<hbm>>
        %dma_start3A_53 = tpu.memref_squeeze %dma_start3A_52 : memref<1x128xi32, #tpu.memory_space<hbm>> -> memref<128xi32, #tpu.memory_space<hbm>>
        tpu.enqueue_dma source(%dma_start3A_53 : memref<128xi32, #tpu.memory_space<hbm>>) target(%arg6 : memref<128xi32, #tpu.memory_space<vmem>>) target_semaphore(%run_scoped3A : memref<!tpu.dma_semaphore, #tpu.memory_space<semaphore_mem>>)
        %dma_wait3A_54 = arith.constant 0 : i32
        %dma_wait3A_55 = tpu.memref_slice %arg3[%add3A_40, %dma_wait3A_54] : memref<2528x128xi32, #tpu.memory_space<hbm>> -> memref<1x128xi32, #tpu.memory_space<hbm>>
        %dma_wait3A_56 = tpu.memref_squeeze %dma_wait3A_55 : memref<1x128xi32, #tpu.memory_space<hbm>> -> memref<128xi32, #tpu.memory_space<hbm>>
        %dma_wait3A_57 = arith.constant 0 : i32
        %dma_wait3A_58 = tpu.memref_slice %arg3[%add3A_40, %dma_wait3A_57] : memref<2528x128xi32, #tpu.memory_space<hbm>> -> memref<1x128xi32, #tpu.memory_space<hbm>>
        %dma_wait3A_59 = tpu.memref_squeeze %dma_wait3A_58 : memref<1x128xi32, #tpu.memory_space<hbm>> -> memref<128xi32, #tpu.memory_space<hbm>>
        tpu.wait_dma2 semaphore(%run_scoped3A : memref<!tpu.dma_semaphore, #tpu.memory_space<semaphore_mem>>) src(%dma_wait3A_59 : memref<128xi32, #tpu.memory_space<hbm>>) dst(%arg6 : memref<128xi32, #tpu.memory_space<vmem>>)
        tpu.yield
      }) : () -> ()
      %mul3A_41 = arith.constant 79 : i32
      %mul3A_42 = arith.muli %add3A, %mul3A_41 : i32
      %add3A_43 = arith.addi %mul3A_42, %scan3A_37 : i32
      "tpu.region"() ({
        %run_scoped3A = tpu.sem_alloc : memref<!tpu.dma_semaphore, #tpu.memory_space<semaphore_mem>>
        %dma_start3A_48 = arith.constant 0 : i32
        %dma_start3A_49 = tpu.memref_slice %arg4[%add3A_43, %dma_start3A_48] : memref<2528x128xi32, #tpu.memory_space<hbm>> -> memref<1x128xi32, #tpu.memory_space<hbm>>
        %dma_start3A_50 = tpu.memref_squeeze %dma_start3A_49 : memref<1x128xi32, #tpu.memory_space<hbm>> -> memref<128xi32, #tpu.memory_space<hbm>>
        %dma_start3A_51 = arith.constant 0 : i32
        %dma_start3A_52 = tpu.memref_slice %arg4[%add3A_43, %dma_start3A_51] : memref<2528x128xi32, #tpu.memory_space<hbm>> -> memref<1x128xi32, #tpu.memory_space<hbm>>
        %dma_start3A_53 = tpu.memref_squeeze %dma_start3A_52 : memref<1x128xi32, #tpu.memory_space<hbm>> -> memref<128xi32, #tpu.memory_space<hbm>>
        tpu.enqueue_dma source(%dma_start3A_53 : memref<128xi32, #tpu.memory_space<hbm>>) target(%arg7 : memref<128xi32, #tpu.memory_space<vmem>>) target_semaphore(%run_scoped3A : memref<!tpu.dma_semaphore, #tpu.memory_space<semaphore_mem>>)
        %dma_wait3A_54 = arith.constant 0 : i32
        %dma_wait3A_55 = tpu.memref_slice %arg4[%add3A_43, %dma_wait3A_54] : memref<2528x128xi32, #tpu.memory_space<hbm>> -> memref<1x128xi32, #tpu.memory_space<hbm>>
        %dma_wait3A_56 = tpu.memref_squeeze %dma_wait3A_55 : memref<1x128xi32, #tpu.memory_space<hbm>> -> memref<128xi32, #tpu.memory_space<hbm>>
        %dma_wait3A_57 = arith.constant 0 : i32
        %dma_wait3A_58 = tpu.memref_slice %arg4[%add3A_43, %dma_wait3A_57] : memref<2528x128xi32, #tpu.memory_space<hbm>> -> memref<1x128xi32, #tpu.memory_space<hbm>>
        %dma_wait3A_59 = tpu.memref_squeeze %dma_wait3A_58 : memref<1x128xi32, #tpu.memory_space<hbm>> -> memref<128xi32, #tpu.memory_space<hbm>>
        tpu.wait_dma2 semaphore(%run_scoped3A : memref<!tpu.dma_semaphore, #tpu.memory_space<semaphore_mem>>) src(%dma_wait3A_59 : memref<128xi32, #tpu.memory_space<hbm>>) dst(%arg7 : memref<128xi32, #tpu.memory_space<vmem>>)
        tpu.yield
      }) : () -> ()
      %dma_start3A = arith.constant 0 : i32
      %dma_start3A_44 = arith.constant 0 : i32
      %dma_start3A_45 = tpu.memref_slice %arg2[%dma_start3A, %dma_start3A_44] : memref<10000x128xf32, #tpu.memory_space<hbm>> -> memref<10000x128xf32, #tpu.memory_space<hbm>>
      tpu.enqueue_indirect_dma source(%dma_start3A_45 : memref<10000x128xf32, #tpu.memory_space<hbm>>) target(%arg8 : memref<128x128xf32, #tpu.memory_space<vmem>>) offsets(%arg6 : memref<128xi32, #tpu.memory_space<vmem>>) semaphore(%arg11 : memref<!tpu.dma_semaphore, #tpu.memory_space<semaphore_mem>>)
      %dma_wait3A = arith.constant 0 : i32
      %dma_wait3A_46 = arith.constant 0 : i32
      %dma_wait3A_47 = tpu.memref_slice %arg2[%dma_wait3A, %dma_wait3A_46] : memref<10000x128xf32, #tpu.memory_space<hbm>> -> memref<10000x128xf32, #tpu.memory_space<hbm>>
      tpu.wait_indirect_dma semaphore(%arg11 : memref<!tpu.dma_semaphore, #tpu.memory_space<semaphore_mem>>) src(%dma_wait3A_47 : memref<10000x128xf32, #tpu.memory_space<hbm>>) dst(%arg8 : memref<128x128xf32, #tpu.memory_space<vmem>>)
      "tpu.region"() ({
        %run_scoped3A = tpu.sem_alloc : memref<!tpu.dma_semaphore, #tpu.memory_space<semaphore_mem>>
        %dma_start3A_48 = arith.constant 0 : i32
        %dma_start3A_49 = arith.constant 0 : i32
        %dma_start3A_50 = tpu.memref_slice %arg10[%dma_start3A_48, %dma_start3A_49] : memref<10240x128xf32, #tpu.memory_space<vmem_shared>> -> memref<10240x128xf32, #tpu.memory_space<vmem_shared>>
        tpu.enqueue_indirect_dma source(%arg8 : memref<128x128xf32, #tpu.memory_space<vmem>>) target(%dma_start3A_50 : memref<10240x128xf32, #tpu.memory_space<vmem_shared>>) offsets(%arg7 : memref<128xi32, #tpu.memory_space<vmem>>) semaphore(%run_scoped3A : memref<!tpu.dma_semaphore, #tpu.memory_space<semaphore_mem>>) {add = true}
        %dma_wait3A_51 = arith.constant 0 : i32
        %dma_wait3A_52 = arith.constant 0 : i32
        %dma_wait3A_53 = tpu.memref_slice %arg10[%dma_wait3A_51, %dma_wait3A_52] : memref<10240x128xf32, #tpu.memory_space<vmem_shared>> -> memref<10240x128xf32, #tpu.memory_space<vmem_shared>>
        tpu.wait_indirect_dma semaphore(%run_scoped3A : memref<!tpu.dma_semaphore, #tpu.memory_space<semaphore_mem>>) src(%arg8 : memref<128x128xf32, #tpu.memory_space<vmem>>) dst(%dma_wait3A_53 : memref<10240x128xf32, #tpu.memory_space<vmem_shared>>)
        tpu.yield
      }) : () -> ()
    }
    %scan3A_31 = arith.constant 79 : i32
    %barrier3A_32 = arith.constant 0 : index
    tpu.barrier barrier_id(%barrier3A_32)
    %mul3A_33 = arith.constant 640 : i32
    %mul3A_34 = arith.muli %arg1, %mul3A_33 : i32
    %mul3A_35 = arith.constant 640 : i32
    %mul3A_36 = arith.muli %arg1, %mul3A_35 : i32
    "tpu.region"() ({
      %run_scoped3A = tpu.sem_alloc : memref<!tpu.dma_semaphore, #tpu.memory_space<semaphore_mem>>
      %dma_start3A = arith.constant 0 : i32
      %dma_start3A_37 = tpu.memref_slice %arg5[%arg0, %mul3A_36, %dma_start3A] : memref<2x10240x128xf32, #tpu.memory_space<hbm>> -> memref<1x640x128xf32, #tpu.memory_space<hbm>>
      %dma_start3A_38 = tpu.memref_squeeze %dma_start3A_37 : memref<1x640x128xf32, #tpu.memory_space<hbm>> -> memref<640x128xf32, #tpu.memory_space<hbm>>
      %dma_start3A_39 = arith.constant 0 : i32
      %dma_start3A_40 = tpu.memref_slice %arg10[%mul3A_34, %dma_start3A_39] : memref<10240x128xf32, #tpu.memory_space<vmem_shared>> -> memref<640x128xf32, #tpu.memory_space<vmem_shared>>
      tpu.enqueue_dma source(%dma_start3A_40 : memref<640x128xf32, #tpu.memory_space<vmem_shared>>) target(%dma_start3A_38 : memref<640x128xf32, #tpu.memory_space<hbm>>) target_semaphore(%run_scoped3A : memref<!tpu.dma_semaphore, #tpu.memory_space<semaphore_mem>>)
      %dma_wait3A = arith.constant 0 : i32
      %dma_wait3A_41 = tpu.memref_slice %arg5[%arg0, %mul3A_36, %dma_wait3A] : memref<2x10240x128xf32, #tpu.memory_space<hbm>> -> memref<1x640x128xf32, #tpu.memory_space<hbm>>
      %dma_wait3A_42 = tpu.memref_squeeze %dma_wait3A_41 : memref<1x640x128xf32, #tpu.memory_space<hbm>> -> memref<640x128xf32, #tpu.memory_space<hbm>>
      %dma_wait3A_43 = arith.constant 0 : i32
      %dma_wait3A_44 = tpu.memref_slice %arg10[%mul3A_34, %dma_wait3A_43] : memref<10240x128xf32, #tpu.memory_space<vmem_shared>> -> memref<640x128xf32, #tpu.memory_space<vmem_shared>>
      tpu.wait_dma2 semaphore(%run_scoped3A : memref<!tpu.dma_semaphore, #tpu.memory_space<semaphore_mem>>) src(%dma_wait3A_44 : memref<640x128xf32, #tpu.memory_space<vmem_shared>>) dst(%dma_wait3A_42 : memref<640x128xf32, #tpu.memory_space<hbm>>)
      tpu.yield
    }) : () -> ()
    return
  }
}

#map = affine_map<(d0, d1) -> (0, 0)>
#map1 = affine_map<(d0, d1) -> (0, 0, 0)>
module attributes {stable_mosaic.version = 14 : i64} {
  func.func @_deg(%arg0: i32, %arg1: i32, %arg2: memref<2528x128xi32, #tpu.memory_space<hbm>>, %arg3: memref<2x10240x16xf32, #tpu.memory_space<hbm>>, %arg4: memref<128xi32, #tpu.memory_space<vmem>>, %arg5: memref<128x16xf32, #tpu.memory_space<vmem>>, %arg6: memref<128x16xf32, #tpu.memory_space<vmem>>, %arg7: memref<10240x16xf32, #tpu.memory_space<vmem_shared>>) attributes {dimension_semantics = [#tpu.dimension_semantics<core_parallel>, #tpu.dimension_semantics<subcore_parallel>], iteration_bounds = array<i64: 2, 16>, scalar_prefetch = 0 : i64, scratch_operands = 4 : i64, tpu.core_type = #tpu.core_type<sc_vector_subcore>, window_params = [{transform_indices = #map}, {transform_indices = #map1}]} {
    %mul3A = arith.constant 2 : i32
    %mul3A_0 = arith.muli %arg1, %mul3A : i32
    %add3A = arith.addi %mul3A_0, %arg0 : i32
    %scan3A = arith.constant 0 : i32
    %scan3A_1 = arith.constant 0 : i32
    %scan3A_2 = arith.constant 128 : i32
    %scan3A_3 = arith.addi %scan3A_1, %scan3A_2 : i32
    %scan3A_4 = arith.constant 1 : i32
    scf.for %scan3A_37 = %scan3A_1 to %scan3A_3 step %scan3A_4  : i32 {
      %broadcast_in_dim3A = arith.constant 1.000000e+00 : f32
      %broadcast_in_dim3A_38 = vector.broadcast %broadcast_in_dim3A : f32 to vector<16xf32>
      %swap3A = arith.index_cast %scan3A_37 : i32 to index
      %swap3A_39 = arith.constant 0 : index
      %swap3A_40 = tpu.vector_load %arg5[%swap3A, %swap3A_39] {strides = array<i32>} : memref<128x16xf32, #tpu.memory_space<vmem>>, vector<1x16xf32>,
      %swap3A_41 = vector.shape_cast %swap3A_40 : vector<1x16xf32> to vector<16xf32>
      %swap3A_42 = vector.shape_cast %broadcast_in_dim3A_38 : vector<16xf32> to vector<1x16xf32>
      tpu.vector_store %arg5[%swap3A, %swap3A_39], %swap3A_42 {strides = array<i32>} : memref<128x16xf32, #tpu.memory_space<vmem>>, vector<1x16xf32>,
      %broadcast_in_dim3A_43 = arith.constant 0.000000e+00 : f32
      %broadcast_in_dim3A_44 = vector.broadcast %broadcast_in_dim3A_43 : f32 to vector<16xf32>
      %swap3A_45 = arith.index_cast %scan3A_37 : i32 to index
      %swap3A_46 = arith.constant 0 : index
      %swap3A_47 = tpu.vector_load %arg6[%swap3A_45, %swap3A_46] {strides = array<i32>} : memref<128x16xf32, #tpu.memory_space<vmem>>, vector<1x16xf32>,
      %swap3A_48 = vector.shape_cast %swap3A_47 : vector<1x16xf32> to vector<16xf32>
      %swap3A_49 = vector.shape_cast %broadcast_in_dim3A_44 : vector<16xf32> to vector<1x16xf32>
      tpu.vector_store %arg6[%swap3A_45, %swap3A_46], %swap3A_49 {strides = array<i32>} : memref<128x16xf32, #tpu.memory_space<vmem>>, vector<1x16xf32>,
    }
    %scan3A_5 = arith.constant 128 : i32
    %mul3A_6 = arith.constant 640 : i32
    %mul3A_7 = arith.muli %arg1, %mul3A_6 : i32
    %add3A_8 = arith.constant 0 : i32
    %add3A_9 = arith.addi %mul3A_7, %add3A_8 : i32
    "tpu.region"() ({
      %run_scoped3A = tpu.sem_alloc : memref<!tpu.dma_semaphore, #tpu.memory_space<semaphore_mem>>
      %dma_start3A = arith.constant 0 : i32
      %dma_start3A_37 = tpu.memref_slice %arg7[%add3A_9, %dma_start3A] : memref<10240x16xf32, #tpu.memory_space<vmem_shared>> -> memref<128x16xf32, #tpu.memory_space<vmem_shared>>
      %dma_start3A_38 = arith.constant 0 : i32
      %dma_start3A_39 = tpu.memref_slice %arg7[%add3A_9, %dma_start3A_38] : memref<10240x16xf32, #tpu.memory_space<vmem_shared>> -> memref<128x16xf32, #tpu.memory_space<vmem_shared>>
      tpu.enqueue_dma source(%arg6 : memref<128x16xf32, #tpu.memory_space<vmem>>) target(%dma_start3A_39 : memref<128x16xf32, #tpu.memory_space<vmem_shared>>) target_semaphore(%run_scoped3A : memref<!tpu.dma_semaphore, #tpu.memory_space<semaphore_mem>>)
      %dma_wait3A = arith.constant 0 : i32
      %dma_wait3A_40 = tpu.memref_slice %arg7[%add3A_9, %dma_wait3A] : memref<10240x16xf32, #tpu.memory_space<vmem_shared>> -> memref<128x16xf32, #tpu.memory_space<vmem_shared>>
      %dma_wait3A_41 = arith.constant 0 : i32
      %dma_wait3A_42 = tpu.memref_slice %arg7[%add3A_9, %dma_wait3A_41] : memref<10240x16xf32, #tpu.memory_space<vmem_shared>> -> memref<128x16xf32, #tpu.memory_space<vmem_shared>>
      tpu.wait_dma2 semaphore(%run_scoped3A : memref<!tpu.dma_semaphore, #tpu.memory_space<semaphore_mem>>) src(%arg6 : memref<128x16xf32, #tpu.memory_space<vmem>>) dst(%dma_wait3A_42 : memref<128x16xf32, #tpu.memory_space<vmem_shared>>)
      tpu.yield
    }) : () -> ()
    %mul3A_10 = arith.constant 640 : i32
    %mul3A_11 = arith.muli %arg1, %mul3A_10 : i32
    %add3A_12 = arith.constant 128 : i32
    %add3A_13 = arith.addi %mul3A_11, %add3A_12 : i32
    "tpu.region"() ({
      %run_scoped3A = tpu.sem_alloc : memref<!tpu.dma_semaphore, #tpu.memory_space<semaphore_mem>>
      %dma_start3A = arith.constant 0 : i32
      %dma_start3A_37 = tpu.memref_slice %arg7[%add3A_13, %dma_start3A] : memref<10240x16xf32, #tpu.memory_space<vmem_shared>> -> memref<128x16xf32, #tpu.memory_space<vmem_shared>>
      %dma_start3A_38 = arith.constant 0 : i32
      %dma_start3A_39 = tpu.memref_slice %arg7[%add3A_13, %dma_start3A_38] : memref<10240x16xf32, #tpu.memory_space<vmem_shared>> -> memref<128x16xf32, #tpu.memory_space<vmem_shared>>
      tpu.enqueue_dma source(%arg6 : memref<128x16xf32, #tpu.memory_space<vmem>>) target(%dma_start3A_39 : memref<128x16xf32, #tpu.memory_space<vmem_shared>>) target_semaphore(%run_scoped3A : memref<!tpu.dma_semaphore, #tpu.memory_space<semaphore_mem>>)
      %dma_wait3A = arith.constant 0 : i32
      %dma_wait3A_40 = tpu.memref_slice %arg7[%add3A_13, %dma_wait3A] : memref<10240x16xf32, #tpu.memory_space<vmem_shared>> -> memref<128x16xf32, #tpu.memory_space<vmem_shared>>
      %dma_wait3A_41 = arith.constant 0 : i32
      %dma_wait3A_42 = tpu.memref_slice %arg7[%add3A_13, %dma_wait3A_41] : memref<10240x16xf32, #tpu.memory_space<vmem_shared>> -> memref<128x16xf32, #tpu.memory_space<vmem_shared>>
      tpu.wait_dma2 semaphore(%run_scoped3A : memref<!tpu.dma_semaphore, #tpu.memory_space<semaphore_mem>>) src(%arg6 : memref<128x16xf32, #tpu.memory_space<vmem>>) dst(%dma_wait3A_42 : memref<128x16xf32, #tpu.memory_space<vmem_shared>>)
      tpu.yield
    }) : () -> ()
    %mul3A_14 = arith.constant 640 : i32
    %mul3A_15 = arith.muli %arg1, %mul3A_14 : i32
    %add3A_16 = arith.constant 256 : i32
    %add3A_17 = arith.addi %mul3A_15, %add3A_16 : i32
    "tpu.region"() ({
      %run_scoped3A = tpu.sem_alloc : memref<!tpu.dma_semaphore, #tpu.memory_space<semaphore_mem>>
      %dma_start3A = arith.constant 0 : i32
      %dma_start3A_37 = tpu.memref_slice %arg7[%add3A_17, %dma_start3A] : memref<10240x16xf32, #tpu.memory_space<vmem_shared>> -> memref<128x16xf32, #tpu.memory_space<vmem_shared>>
      %dma_start3A_38 = arith.constant 0 : i32
      %dma_start3A_39 = tpu.memref_slice %arg7[%add3A_17, %dma_start3A_38] : memref<10240x16xf32, #tpu.memory_space<vmem_shared>> -> memref<128x16xf32, #tpu.memory_space<vmem_shared>>
      tpu.enqueue_dma source(%arg6 : memref<128x16xf32, #tpu.memory_space<vmem>>) target(%dma_start3A_39 : memref<128x16xf32, #tpu.memory_space<vmem_shared>>) target_semaphore(%run_scoped3A : memref<!tpu.dma_semaphore, #tpu.memory_space<semaphore_mem>>)
      %dma_wait3A = arith.constant 0 : i32
      %dma_wait3A_40 = tpu.memref_slice %arg7[%add3A_17, %dma_wait3A] : memref<10240x16xf32, #tpu.memory_space<vmem_shared>> -> memref<128x16xf32, #tpu.memory_space<vmem_shared>>
      %dma_wait3A_41 = arith.constant 0 : i32
      %dma_wait3A_42 = tpu.memref_slice %arg7[%add3A_17, %dma_wait3A_41] : memref<10240x16xf32, #tpu.memory_space<vmem_shared>> -> memref<128x16xf32, #tpu.memory_space<vmem_shared>>
      tpu.wait_dma2 semaphore(%run_scoped3A : memref<!tpu.dma_semaphore, #tpu.memory_space<semaphore_mem>>) src(%arg6 : memref<128x16xf32, #tpu.memory_space<vmem>>) dst(%dma_wait3A_42 : memref<128x16xf32, #tpu.memory_space<vmem_shared>>)
      tpu.yield
    }) : () -> ()
    %mul3A_18 = arith.constant 640 : i32
    %mul3A_19 = arith.muli %arg1, %mul3A_18 : i32
    %add3A_20 = arith.constant 384 : i32
    %add3A_21 = arith.addi %mul3A_19, %add3A_20 : i32
    "tpu.region"() ({
      %run_scoped3A = tpu.sem_alloc : memref<!tpu.dma_semaphore, #tpu.memory_space<semaphore_mem>>
      %dma_start3A = arith.constant 0 : i32
      %dma_start3A_37 = tpu.memref_slice %arg7[%add3A_21, %dma_start3A] : memref<10240x16xf32, #tpu.memory_space<vmem_shared>> -> memref<128x16xf32, #tpu.memory_space<vmem_shared>>
      %dma_start3A_38 = arith.constant 0 : i32
      %dma_start3A_39 = tpu.memref_slice %arg7[%add3A_21, %dma_start3A_38] : memref<10240x16xf32, #tpu.memory_space<vmem_shared>> -> memref<128x16xf32, #tpu.memory_space<vmem_shared>>
      tpu.enqueue_dma source(%arg6 : memref<128x16xf32, #tpu.memory_space<vmem>>) target(%dma_start3A_39 : memref<128x16xf32, #tpu.memory_space<vmem_shared>>) target_semaphore(%run_scoped3A : memref<!tpu.dma_semaphore, #tpu.memory_space<semaphore_mem>>)
      %dma_wait3A = arith.constant 0 : i32
      %dma_wait3A_40 = tpu.memref_slice %arg7[%add3A_21, %dma_wait3A] : memref<10240x16xf32, #tpu.memory_space<vmem_shared>> -> memref<128x16xf32, #tpu.memory_space<vmem_shared>>
      %dma_wait3A_41 = arith.constant 0 : i32
      %dma_wait3A_42 = tpu.memref_slice %arg7[%add3A_21, %dma_wait3A_41] : memref<10240x16xf32, #tpu.memory_space<vmem_shared>> -> memref<128x16xf32, #tpu.memory_space<vmem_shared>>
      tpu.wait_dma2 semaphore(%run_scoped3A : memref<!tpu.dma_semaphore, #tpu.memory_space<semaphore_mem>>) src(%arg6 : memref<128x16xf32, #tpu.memory_space<vmem>>) dst(%dma_wait3A_42 : memref<128x16xf32, #tpu.memory_space<vmem_shared>>)
      tpu.yield
    }) : () -> ()
    %mul3A_22 = arith.constant 640 : i32
    %mul3A_23 = arith.muli %arg1, %mul3A_22 : i32
    %add3A_24 = arith.constant 512 : i32
    %add3A_25 = arith.addi %mul3A_23, %add3A_24 : i32
    "tpu.region"() ({
      %run_scoped3A = tpu.sem_alloc : memref<!tpu.dma_semaphore, #tpu.memory_space<semaphore_mem>>
      %dma_start3A = arith.constant 0 : i32
      %dma_start3A_37 = tpu.memref_slice %arg7[%add3A_25, %dma_start3A] : memref<10240x16xf32, #tpu.memory_space<vmem_shared>> -> memref<128x16xf32, #tpu.memory_space<vmem_shared>>
      %dma_start3A_38 = arith.constant 0 : i32
      %dma_start3A_39 = tpu.memref_slice %arg7[%add3A_25, %dma_start3A_38] : memref<10240x16xf32, #tpu.memory_space<vmem_shared>> -> memref<128x16xf32, #tpu.memory_space<vmem_shared>>
      tpu.enqueue_dma source(%arg6 : memref<128x16xf32, #tpu.memory_space<vmem>>) target(%dma_start3A_39 : memref<128x16xf32, #tpu.memory_space<vmem_shared>>) target_semaphore(%run_scoped3A : memref<!tpu.dma_semaphore, #tpu.memory_space<semaphore_mem>>)
      %dma_wait3A = arith.constant 0 : i32
      %dma_wait3A_40 = tpu.memref_slice %arg7[%add3A_25, %dma_wait3A] : memref<10240x16xf32, #tpu.memory_space<vmem_shared>> -> memref<128x16xf32, #tpu.memory_space<vmem_shared>>
      %dma_wait3A_41 = arith.constant 0 : i32
      %dma_wait3A_42 = tpu.memref_slice %arg7[%add3A_25, %dma_wait3A_41] : memref<10240x16xf32, #tpu.memory_space<vmem_shared>> -> memref<128x16xf32, #tpu.memory_space<vmem_shared>>
      tpu.wait_dma2 semaphore(%run_scoped3A : memref<!tpu.dma_semaphore, #tpu.memory_space<semaphore_mem>>) src(%arg6 : memref<128x16xf32, #tpu.memory_space<vmem>>) dst(%dma_wait3A_42 : memref<128x16xf32, #tpu.memory_space<vmem_shared>>)
      tpu.yield
    }) : () -> ()
    %barrier3A = arith.constant 0 : index
    tpu.barrier barrier_id(%barrier3A)
    %scan3A_26 = arith.constant 0 : i32
    %scan3A_27 = arith.constant 0 : i32
    %scan3A_28 = arith.constant 79 : i32
    %scan3A_29 = arith.addi %scan3A_27, %scan3A_28 : i32
    %scan3A_30 = arith.constant 1 : i32
    scf.for %scan3A_37 = %scan3A_27 to %scan3A_29 step %scan3A_30  : i32 {
      %mul3A_38 = arith.constant 79 : i32
      %mul3A_39 = arith.muli %add3A, %mul3A_38 : i32
      %add3A_40 = arith.addi %mul3A_39, %scan3A_37 : i32
      "tpu.region"() ({
        %run_scoped3A = tpu.sem_alloc : memref<!tpu.dma_semaphore, #tpu.memory_space<semaphore_mem>>
        %dma_start3A = arith.constant 0 : i32
        %dma_start3A_41 = tpu.memref_slice %arg2[%add3A_40, %dma_start3A] : memref<2528x128xi32, #tpu.memory_space<hbm>> -> memref<1x128xi32, #tpu.memory_space<hbm>>
        %dma_start3A_42 = tpu.memref_squeeze %dma_start3A_41 : memref<1x128xi32, #tpu.memory_space<hbm>> -> memref<128xi32, #tpu.memory_space<hbm>>
        %dma_start3A_43 = arith.constant 0 : i32
        %dma_start3A_44 = tpu.memref_slice %arg2[%add3A_40, %dma_start3A_43] : memref<2528x128xi32, #tpu.memory_space<hbm>> -> memref<1x128xi32, #tpu.memory_space<hbm>>
        %dma_start3A_45 = tpu.memref_squeeze %dma_start3A_44 : memref<1x128xi32, #tpu.memory_space<hbm>> -> memref<128xi32, #tpu.memory_space<hbm>>
        tpu.enqueue_dma source(%dma_start3A_45 : memref<128xi32, #tpu.memory_space<hbm>>) target(%arg4 : memref<128xi32, #tpu.memory_space<vmem>>) target_semaphore(%run_scoped3A : memref<!tpu.dma_semaphore, #tpu.memory_space<semaphore_mem>>)
        %dma_wait3A = arith.constant 0 : i32
        %dma_wait3A_46 = tpu.memref_slice %arg2[%add3A_40, %dma_wait3A] : memref<2528x128xi32, #tpu.memory_space<hbm>> -> memref<1x128xi32, #tpu.memory_space<hbm>>
        %dma_wait3A_47 = tpu.memref_squeeze %dma_wait3A_46 : memref<1x128xi32, #tpu.memory_space<hbm>> -> memref<128xi32, #tpu.memory_space<hbm>>
        %dma_wait3A_48 = arith.constant 0 : i32
        %dma_wait3A_49 = tpu.memref_slice %arg2[%add3A_40, %dma_wait3A_48] : memref<2528x128xi32, #tpu.memory_space<hbm>> -> memref<1x128xi32, #tpu.memory_space<hbm>>
        %dma_wait3A_50 = tpu.memref_squeeze %dma_wait3A_49 : memref<1x128xi32, #tpu.memory_space<hbm>> -> memref<128xi32, #tpu.memory_space<hbm>>
        tpu.wait_dma2 semaphore(%run_scoped3A : memref<!tpu.dma_semaphore, #tpu.memory_space<semaphore_mem>>) src(%dma_wait3A_50 : memref<128xi32, #tpu.memory_space<hbm>>) dst(%arg4 : memref<128xi32, #tpu.memory_space<vmem>>)
        tpu.yield
      }) : () -> ()
      "tpu.region"() ({
        %run_scoped3A = tpu.sem_alloc : memref<!tpu.dma_semaphore, #tpu.memory_space<semaphore_mem>>
        %dma_start3A = arith.constant 0 : i32
        %dma_start3A_41 = arith.constant 0 : i32
        %dma_start3A_42 = tpu.memref_slice %arg7[%dma_start3A, %dma_start3A_41] : memref<10240x16xf32, #tpu.memory_space<vmem_shared>> -> memref<10240x16xf32, #tpu.memory_space<vmem_shared>>
        tpu.enqueue_indirect_dma source(%arg5 : memref<128x16xf32, #tpu.memory_space<vmem>>) target(%dma_start3A_42 : memref<10240x16xf32, #tpu.memory_space<vmem_shared>>) offsets(%arg4 : memref<128xi32, #tpu.memory_space<vmem>>) semaphore(%run_scoped3A : memref<!tpu.dma_semaphore, #tpu.memory_space<semaphore_mem>>) {add = true}
        %dma_wait3A = arith.constant 0 : i32
        %dma_wait3A_43 = arith.constant 0 : i32
        %dma_wait3A_44 = tpu.memref_slice %arg7[%dma_wait3A, %dma_wait3A_43] : memref<10240x16xf32, #tpu.memory_space<vmem_shared>> -> memref<10240x16xf32, #tpu.memory_space<vmem_shared>>
        tpu.wait_indirect_dma semaphore(%run_scoped3A : memref<!tpu.dma_semaphore, #tpu.memory_space<semaphore_mem>>) src(%arg5 : memref<128x16xf32, #tpu.memory_space<vmem>>) dst(%dma_wait3A_44 : memref<10240x16xf32, #tpu.memory_space<vmem_shared>>)
        tpu.yield
      }) : () -> ()
    }
    %scan3A_31 = arith.constant 79 : i32
    %barrier3A_32 = arith.constant 0 : index
    tpu.barrier barrier_id(%barrier3A_32)
    %mul3A_33 = arith.constant 640 : i32
    %mul3A_34 = arith.muli %arg1, %mul3A_33 : i32
    %mul3A_35 = arith.constant 640 : i32
    %mul3A_36 = arith.muli %arg1, %mul3A_35 : i32
    "tpu.region"() ({
      %run_scoped3A = tpu.sem_alloc : memref<!tpu.dma_semaphore, #tpu.memory_space<semaphore_mem>>
      %dma_start3A = arith.constant 0 : i32
      %dma_start3A_37 = tpu.memref_slice %arg3[%arg0, %mul3A_36, %dma_start3A] : memref<2x10240x16xf32, #tpu.memory_space<hbm>> -> memref<1x640x16xf32, #tpu.memory_space<hbm>>
      %dma_start3A_38 = tpu.memref_squeeze %dma_start3A_37 : memref<1x640x16xf32, #tpu.memory_space<hbm>> -> memref<640x16xf32, #tpu.memory_space<hbm>>
      %dma_start3A_39 = arith.constant 0 : i32
      %dma_start3A_40 = tpu.memref_slice %arg7[%mul3A_34, %dma_start3A_39] : memref<10240x16xf32, #tpu.memory_space<vmem_shared>> -> memref<640x16xf32, #tpu.memory_space<vmem_shared>>
      tpu.enqueue_dma source(%dma_start3A_40 : memref<640x16xf32, #tpu.memory_space<vmem_shared>>) target(%dma_start3A_38 : memref<640x16xf32, #tpu.memory_space<hbm>>) target_semaphore(%run_scoped3A : memref<!tpu.dma_semaphore, #tpu.memory_space<semaphore_mem>>)
      %dma_wait3A = arith.constant 0 : i32
      %dma_wait3A_41 = tpu.memref_slice %arg3[%arg0, %mul3A_36, %dma_wait3A] : memref<2x10240x16xf32, #tpu.memory_space<hbm>> -> memref<1x640x16xf32, #tpu.memory_space<hbm>>
      %dma_wait3A_42 = tpu.memref_squeeze %dma_wait3A_41 : memref<1x640x16xf32, #tpu.memory_space<hbm>> -> memref<640x16xf32, #tpu.memory_space<hbm>>
      %dma_wait3A_43 = arith.constant 0 : i32
      %dma_wait3A_44 = tpu.memref_slice %arg7[%mul3A_34, %dma_wait3A_43] : memref<10240x16xf32, #tpu.memory_space<vmem_shared>> -> memref<640x16xf32, #tpu.memory_space<vmem_shared>>
      tpu.wait_dma2 semaphore(%run_scoped3A : memref<!tpu.dma_semaphore, #tpu.memory_space<semaphore_mem>>) src(%dma_wait3A_44 : memref<640x16xf32, #tpu.memory_space<vmem_shared>>) dst(%dma_wait3A_42 : memref<640x16xf32, #tpu.memory_space<hbm>>)
      tpu.yield
    }) : () -> ()
    return
  }
}

#map = affine_map<(d0, d1) -> (0, 0)>
#map1 = affine_map<(d0, d1) -> (0, 0, 0)>
module attributes {stable_mosaic.version = 14 : i64} {
  func.func @_agg(%arg0: i32, %arg1: i32, %arg2: memref<10000x128xf32, #tpu.memory_space<hbm>>, %arg3: memref<2528x128xi32, #tpu.memory_space<hbm>>, %arg4: memref<2528x128xi32, #tpu.memory_space<hbm>>, %arg5: memref<2x10240x128xf32, #tpu.memory_space<hbm>>, %arg6: memref<128xi32, #tpu.memory_space<vmem>>, %arg7: memref<128xi32, #tpu.memory_space<vmem>>, %arg8: memref<128x128xf32, #tpu.memory_space<vmem>>, %arg9: memref<128x128xf32, #tpu.memory_space<vmem>>, %arg10: memref<10240x128xf32, #tpu.memory_space<vmem_shared>>, %arg11: memref<!tpu.dma_semaphore, #tpu.memory_space<semaphore_mem>>) attributes {dimension_semantics = [#tpu.dimension_semantics<core_parallel>, #tpu.dimension_semantics<subcore_parallel>], iteration_bounds = array<i64: 2, 16>, scalar_prefetch = 0 : i64, scratch_operands = 6 : i64, tpu.core_type = #tpu.core_type<sc_vector_subcore>, window_params = [{transform_indices = #map}, {transform_indices = #map}, {transform_indices = #map}, {transform_indices = #map1}]} {
    %mul3A = arith.constant 2 : i32
    %mul3A_0 = arith.muli %arg1, %mul3A : i32
    %add3A = arith.addi %mul3A_0, %arg0 : i32
    %scan3A = arith.constant 0 : i32
    %scan3A_1 = arith.constant 0 : i32
    %scan3A_2 = arith.constant 128 : i32
    %scan3A_3 = arith.addi %scan3A_1, %scan3A_2 : i32
    %scan3A_4 = arith.constant 1 : i32
    scf.for %scan3A_37 = %scan3A_1 to %scan3A_3 step %scan3A_4  : i32 {
      %broadcast_in_dim3A = arith.constant 0.000000e+00 : f32
      %broadcast_in_dim3A_38 = vector.broadcast %broadcast_in_dim3A : f32 to vector<16xf32>
      %swap3A = arith.index_cast %scan3A_37 : i32 to index
      %swap3A_39 = arith.constant 0 : index
      %swap3A_40 = tpu.vector_load %arg9[%swap3A, %swap3A_39] {strides = array<i32>} : memref<128x128xf32, #tpu.memory_space<vmem>>, vector<1x16xf32>,
      %swap3A_41 = vector.shape_cast %swap3A_40 : vector<1x16xf32> to vector<16xf32>
      %swap3A_42 = vector.shape_cast %broadcast_in_dim3A_38 : vector<16xf32> to vector<1x16xf32>
      tpu.vector_store %arg9[%swap3A, %swap3A_39], %swap3A_42 {strides = array<i32>} : memref<128x128xf32, #tpu.memory_space<vmem>>, vector<1x16xf32>,
      %broadcast_in_dim3A_43 = arith.constant 0.000000e+00 : f32
      %broadcast_in_dim3A_44 = vector.broadcast %broadcast_in_dim3A_43 : f32 to vector<16xf32>
      %swap3A_45 = arith.index_cast %scan3A_37 : i32 to index
      %swap3A_46 = arith.constant 16 : index
      %swap3A_47 = tpu.vector_load %arg9[%swap3A_45, %swap3A_46] {strides = array<i32>} : memref<128x128xf32, #tpu.memory_space<vmem>>, vector<1x16xf32>,
      %swap3A_48 = vector.shape_cast %swap3A_47 : vector<1x16xf32> to vector<16xf32>
      %swap3A_49 = vector.shape_cast %broadcast_in_dim3A_44 : vector<16xf32> to vector<1x16xf32>
      tpu.vector_store %arg9[%swap3A_45, %swap3A_46], %swap3A_49 {strides = array<i32>} : memref<128x128xf32, #tpu.memory_space<vmem>>, vector<1x16xf32>,
      %broadcast_in_dim3A_50 = arith.constant 0.000000e+00 : f32
      %broadcast_in_dim3A_51 = vector.broadcast %broadcast_in_dim3A_50 : f32 to vector<16xf32>
      %swap3A_52 = arith.index_cast %scan3A_37 : i32 to index
      %swap3A_53 = arith.constant 32 : index
      %swap3A_54 = tpu.vector_load %arg9[%swap3A_52, %swap3A_53] {strides = array<i32>} : memref<128x128xf32, #tpu.memory_space<vmem>>, vector<1x16xf32>,
      %swap3A_55 = vector.shape_cast %swap3A_54 : vector<1x16xf32> to vector<16xf32>
      %swap3A_56 = vector.shape_cast %broadcast_in_dim3A_51 : vector<16xf32> to vector<1x16xf32>
      tpu.vector_store %arg9[%swap3A_52, %swap3A_53], %swap3A_56 {strides = array<i32>} : memref<128x128xf32, #tpu.memory_space<vmem>>, vector<1x16xf32>,
      %broadcast_in_dim3A_57 = arith.constant 0.000000e+00 : f32
      %broadcast_in_dim3A_58 = vector.broadcast %broadcast_in_dim3A_57 : f32 to vector<16xf32>
      %swap3A_59 = arith.index_cast %scan3A_37 : i32 to index
      %swap3A_60 = arith.constant 48 : index
      %swap3A_61 = tpu.vector_load %arg9[%swap3A_59, %swap3A_60] {strides = array<i32>} : memref<128x128xf32, #tpu.memory_space<vmem>>, vector<1x16xf32>,
      %swap3A_62 = vector.shape_cast %swap3A_61 : vector<1x16xf32> to vector<16xf32>
      %swap3A_63 = vector.shape_cast %broadcast_in_dim3A_58 : vector<16xf32> to vector<1x16xf32>
      tpu.vector_store %arg9[%swap3A_59, %swap3A_60], %swap3A_63 {strides = array<i32>} : memref<128x128xf32, #tpu.memory_space<vmem>>, vector<1x16xf32>,
      %broadcast_in_dim3A_64 = arith.constant 0.000000e+00 : f32
      %broadcast_in_dim3A_65 = vector.broadcast %broadcast_in_dim3A_64 : f32 to vector<16xf32>
      %swap3A_66 = arith.index_cast %scan3A_37 : i32 to index
      %swap3A_67 = arith.constant 64 : index
      %swap3A_68 = tpu.vector_load %arg9[%swap3A_66, %swap3A_67] {strides = array<i32>} : memref<128x128xf32, #tpu.memory_space<vmem>>, vector<1x16xf32>,
      %swap3A_69 = vector.shape_cast %swap3A_68 : vector<1x16xf32> to vector<16xf32>
      %swap3A_70 = vector.shape_cast %broadcast_in_dim3A_65 : vector<16xf32> to vector<1x16xf32>
      tpu.vector_store %arg9[%swap3A_66, %swap3A_67], %swap3A_70 {strides = array<i32>} : memref<128x128xf32, #tpu.memory_space<vmem>>, vector<1x16xf32>,
      %broadcast_in_dim3A_71 = arith.constant 0.000000e+00 : f32
      %broadcast_in_dim3A_72 = vector.broadcast %broadcast_in_dim3A_71 : f32 to vector<16xf32>
      %swap3A_73 = arith.index_cast %scan3A_37 : i32 to index
      %swap3A_74 = arith.constant 80 : index
      %swap3A_75 = tpu.vector_load %arg9[%swap3A_73, %swap3A_74] {strides = array<i32>} : memref<128x128xf32, #tpu.memory_space<vmem>>, vector<1x16xf32>,
      %swap3A_76 = vector.shape_cast %swap3A_75 : vector<1x16xf32> to vector<16xf32>
      %swap3A_77 = vector.shape_cast %broadcast_in_dim3A_72 : vector<16xf32> to vector<1x16xf32>
      tpu.vector_store %arg9[%swap3A_73, %swap3A_74], %swap3A_77 {strides = array<i32>} : memref<128x128xf32, #tpu.memory_space<vmem>>, vector<1x16xf32>,
      %broadcast_in_dim3A_78 = arith.constant 0.000000e+00 : f32
      %broadcast_in_dim3A_79 = vector.broadcast %broadcast_in_dim3A_78 : f32 to vector<16xf32>
      %swap3A_80 = arith.index_cast %scan3A_37 : i32 to index
      %swap3A_81 = arith.constant 96 : index
      %swap3A_82 = tpu.vector_load %arg9[%swap3A_80, %swap3A_81] {strides = array<i32>} : memref<128x128xf32, #tpu.memory_space<vmem>>, vector<1x16xf32>,
      %swap3A_83 = vector.shape_cast %swap3A_82 : vector<1x16xf32> to vector<16xf32>
      %swap3A_84 = vector.shape_cast %broadcast_in_dim3A_79 : vector<16xf32> to vector<1x16xf32>
      tpu.vector_store %arg9[%swap3A_80, %swap3A_81], %swap3A_84 {strides = array<i32>} : memref<128x128xf32, #tpu.memory_space<vmem>>, vector<1x16xf32>,
      %broadcast_in_dim3A_85 = arith.constant 0.000000e+00 : f32
      %broadcast_in_dim3A_86 = vector.broadcast %broadcast_in_dim3A_85 : f32 to vector<16xf32>
      %swap3A_87 = arith.index_cast %scan3A_37 : i32 to index
      %swap3A_88 = arith.constant 112 : index
      %swap3A_89 = tpu.vector_load %arg9[%swap3A_87, %swap3A_88] {strides = array<i32>} : memref<128x128xf32, #tpu.memory_space<vmem>>, vector<1x16xf32>,
      %swap3A_90 = vector.shape_cast %swap3A_89 : vector<1x16xf32> to vector<16xf32>
      %swap3A_91 = vector.shape_cast %broadcast_in_dim3A_86 : vector<16xf32> to vector<1x16xf32>
      tpu.vector_store %arg9[%swap3A_87, %swap3A_88], %swap3A_91 {strides = array<i32>} : memref<128x128xf32, #tpu.memory_space<vmem>>, vector<1x16xf32>,
    }
    %scan3A_5 = arith.constant 128 : i32
    %mul3A_6 = arith.constant 640 : i32
    %mul3A_7 = arith.muli %arg1, %mul3A_6 : i32
    %add3A_8 = arith.constant 0 : i32
    %add3A_9 = arith.addi %mul3A_7, %add3A_8 : i32
    "tpu.region"() ({
      %run_scoped3A = tpu.sem_alloc : memref<!tpu.dma_semaphore, #tpu.memory_space<semaphore_mem>>
      %dma_start3A = arith.constant 0 : i32
      %dma_start3A_37 = tpu.memref_slice %arg10[%add3A_9, %dma_start3A] : memref<10240x128xf32, #tpu.memory_space<vmem_shared>> -> memref<128x128xf32, #tpu.memory_space<vmem_shared>>
      %dma_start3A_38 = arith.constant 0 : i32
      %dma_start3A_39 = tpu.memref_slice %arg10[%add3A_9, %dma_start3A_38] : memref<10240x128xf32, #tpu.memory_space<vmem_shared>> -> memref<128x128xf32, #tpu.memory_space<vmem_shared>>
      tpu.enqueue_dma source(%arg9 : memref<128x128xf32, #tpu.memory_space<vmem>>) target(%dma_start3A_39 : memref<128x128xf32, #tpu.memory_space<vmem_shared>>) target_semaphore(%run_scoped3A : memref<!tpu.dma_semaphore, #tpu.memory_space<semaphore_mem>>)
      %dma_wait3A = arith.constant 0 : i32
      %dma_wait3A_40 = tpu.memref_slice %arg10[%add3A_9, %dma_wait3A] : memref<10240x128xf32, #tpu.memory_space<vmem_shared>> -> memref<128x128xf32, #tpu.memory_space<vmem_shared>>
      %dma_wait3A_41 = arith.constant 0 : i32
      %dma_wait3A_42 = tpu.memref_slice %arg10[%add3A_9, %dma_wait3A_41] : memref<10240x128xf32, #tpu.memory_space<vmem_shared>> -> memref<128x128xf32, #tpu.memory_space<vmem_shared>>
      tpu.wait_dma2 semaphore(%run_scoped3A : memref<!tpu.dma_semaphore, #tpu.memory_space<semaphore_mem>>) src(%arg9 : memref<128x128xf32, #tpu.memory_space<vmem>>) dst(%dma_wait3A_42 : memref<128x128xf32, #tpu.memory_space<vmem_shared>>)
      tpu.yield
    }) : () -> ()
    %mul3A_10 = arith.constant 640 : i32
    %mul3A_11 = arith.muli %arg1, %mul3A_10 : i32
    %add3A_12 = arith.constant 128 : i32
    %add3A_13 = arith.addi %mul3A_11, %add3A_12 : i32
    "tpu.region"() ({
      %run_scoped3A = tpu.sem_alloc : memref<!tpu.dma_semaphore, #tpu.memory_space<semaphore_mem>>
      %dma_start3A = arith.constant 0 : i32
      %dma_start3A_37 = tpu.memref_slice %arg10[%add3A_13, %dma_start3A] : memref<10240x128xf32, #tpu.memory_space<vmem_shared>> -> memref<128x128xf32, #tpu.memory_space<vmem_shared>>
      %dma_start3A_38 = arith.constant 0 : i32
      %dma_start3A_39 = tpu.memref_slice %arg10[%add3A_13, %dma_start3A_38] : memref<10240x128xf32, #tpu.memory_space<vmem_shared>> -> memref<128x128xf32, #tpu.memory_space<vmem_shared>>
      tpu.enqueue_dma source(%arg9 : memref<128x128xf32, #tpu.memory_space<vmem>>) target(%dma_start3A_39 : memref<128x128xf32, #tpu.memory_space<vmem_shared>>) target_semaphore(%run_scoped3A : memref<!tpu.dma_semaphore, #tpu.memory_space<semaphore_mem>>)
      %dma_wait3A = arith.constant 0 : i32
      %dma_wait3A_40 = tpu.memref_slice %arg10[%add3A_13, %dma_wait3A] : memref<10240x128xf32, #tpu.memory_space<vmem_shared>> -> memref<128x128xf32, #tpu.memory_space<vmem_shared>>
      %dma_wait3A_41 = arith.constant 0 : i32
      %dma_wait3A_42 = tpu.memref_slice %arg10[%add3A_13, %dma_wait3A_41] : memref<10240x128xf32, #tpu.memory_space<vmem_shared>> -> memref<128x128xf32, #tpu.memory_space<vmem_shared>>
      tpu.wait_dma2 semaphore(%run_scoped3A : memref<!tpu.dma_semaphore, #tpu.memory_space<semaphore_mem>>) src(%arg9 : memref<128x128xf32, #tpu.memory_space<vmem>>) dst(%dma_wait3A_42 : memref<128x128xf32, #tpu.memory_space<vmem_shared>>)
      tpu.yield
    }) : () -> ()
    %mul3A_14 = arith.constant 640 : i32
    %mul3A_15 = arith.muli %arg1, %mul3A_14 : i32
    %add3A_16 = arith.constant 256 : i32
    %add3A_17 = arith.addi %mul3A_15, %add3A_16 : i32
    "tpu.region"() ({
      %run_scoped3A = tpu.sem_alloc : memref<!tpu.dma_semaphore, #tpu.memory_space<semaphore_mem>>
      %dma_start3A = arith.constant 0 : i32
      %dma_start3A_37 = tpu.memref_slice %arg10[%add3A_17, %dma_start3A] : memref<10240x128xf32, #tpu.memory_space<vmem_shared>> -> memref<128x128xf32, #tpu.memory_space<vmem_shared>>
      %dma_start3A_38 = arith.constant 0 : i32
      %dma_start3A_39 = tpu.memref_slice %arg10[%add3A_17, %dma_start3A_38] : memref<10240x128xf32, #tpu.memory_space<vmem_shared>> -> memref<128x128xf32, #tpu.memory_space<vmem_shared>>
      tpu.enqueue_dma source(%arg9 : memref<128x128xf32, #tpu.memory_space<vmem>>) target(%dma_start3A_39 : memref<128x128xf32, #tpu.memory_space<vmem_shared>>) target_semaphore(%run_scoped3A : memref<!tpu.dma_semaphore, #tpu.memory_space<semaphore_mem>>)
      %dma_wait3A = arith.constant 0 : i32
      %dma_wait3A_40 = tpu.memref_slice %arg10[%add3A_17, %dma_wait3A] : memref<10240x128xf32, #tpu.memory_space<vmem_shared>> -> memref<128x128xf32, #tpu.memory_space<vmem_shared>>
      %dma_wait3A_41 = arith.constant 0 : i32
      %dma_wait3A_42 = tpu.memref_slice %arg10[%add3A_17, %dma_wait3A_41] : memref<10240x128xf32, #tpu.memory_space<vmem_shared>> -> memref<128x128xf32, #tpu.memory_space<vmem_shared>>
      tpu.wait_dma2 semaphore(%run_scoped3A : memref<!tpu.dma_semaphore, #tpu.memory_space<semaphore_mem>>) src(%arg9 : memref<128x128xf32, #tpu.memory_space<vmem>>) dst(%dma_wait3A_42 : memref<128x128xf32, #tpu.memory_space<vmem_shared>>)
      tpu.yield
    }) : () -> ()
    %mul3A_18 = arith.constant 640 : i32
    %mul3A_19 = arith.muli %arg1, %mul3A_18 : i32
    %add3A_20 = arith.constant 384 : i32
    %add3A_21 = arith.addi %mul3A_19, %add3A_20 : i32
    "tpu.region"() ({
      %run_scoped3A = tpu.sem_alloc : memref<!tpu.dma_semaphore, #tpu.memory_space<semaphore_mem>>
      %dma_start3A = arith.constant 0 : i32
      %dma_start3A_37 = tpu.memref_slice %arg10[%add3A_21, %dma_start3A] : memref<10240x128xf32, #tpu.memory_space<vmem_shared>> -> memref<128x128xf32, #tpu.memory_space<vmem_shared>>
      %dma_start3A_38 = arith.constant 0 : i32
      %dma_start3A_39 = tpu.memref_slice %arg10[%add3A_21, %dma_start3A_38] : memref<10240x128xf32, #tpu.memory_space<vmem_shared>> -> memref<128x128xf32, #tpu.memory_space<vmem_shared>>
      tpu.enqueue_dma source(%arg9 : memref<128x128xf32, #tpu.memory_space<vmem>>) target(%dma_start3A_39 : memref<128x128xf32, #tpu.memory_space<vmem_shared>>) target_semaphore(%run_scoped3A : memref<!tpu.dma_semaphore, #tpu.memory_space<semaphore_mem>>)
      %dma_wait3A = arith.constant 0 : i32
      %dma_wait3A_40 = tpu.memref_slice %arg10[%add3A_21, %dma_wait3A] : memref<10240x128xf32, #tpu.memory_space<vmem_shared>> -> memref<128x128xf32, #tpu.memory_space<vmem_shared>>
      %dma_wait3A_41 = arith.constant 0 : i32
      %dma_wait3A_42 = tpu.memref_slice %arg10[%add3A_21, %dma_wait3A_41] : memref<10240x128xf32, #tpu.memory_space<vmem_shared>> -> memref<128x128xf32, #tpu.memory_space<vmem_shared>>
      tpu.wait_dma2 semaphore(%run_scoped3A : memref<!tpu.dma_semaphore, #tpu.memory_space<semaphore_mem>>) src(%arg9 : memref<128x128xf32, #tpu.memory_space<vmem>>) dst(%dma_wait3A_42 : memref<128x128xf32, #tpu.memory_space<vmem_shared>>)
      tpu.yield
    }) : () -> ()
    %mul3A_22 = arith.constant 640 : i32
    %mul3A_23 = arith.muli %arg1, %mul3A_22 : i32
    %add3A_24 = arith.constant 512 : i32
    %add3A_25 = arith.addi %mul3A_23, %add3A_24 : i32
    "tpu.region"() ({
      %run_scoped3A = tpu.sem_alloc : memref<!tpu.dma_semaphore, #tpu.memory_space<semaphore_mem>>
      %dma_start3A = arith.constant 0 : i32
      %dma_start3A_37 = tpu.memref_slice %arg10[%add3A_25, %dma_start3A] : memref<10240x128xf32, #tpu.memory_space<vmem_shared>> -> memref<128x128xf32, #tpu.memory_space<vmem_shared>>
      %dma_start3A_38 = arith.constant 0 : i32
      %dma_start3A_39 = tpu.memref_slice %arg10[%add3A_25, %dma_start3A_38] : memref<10240x128xf32, #tpu.memory_space<vmem_shared>> -> memref<128x128xf32, #tpu.memory_space<vmem_shared>>
      tpu.enqueue_dma source(%arg9 : memref<128x128xf32, #tpu.memory_space<vmem>>) target(%dma_start3A_39 : memref<128x128xf32, #tpu.memory_space<vmem_shared>>) target_semaphore(%run_scoped3A : memref<!tpu.dma_semaphore, #tpu.memory_space<semaphore_mem>>)
      %dma_wait3A = arith.constant 0 : i32
      %dma_wait3A_40 = tpu.memref_slice %arg10[%add3A_25, %dma_wait3A] : memref<10240x128xf32, #tpu.memory_space<vmem_shared>> -> memref<128x128xf32, #tpu.memory_space<vmem_shared>>
      %dma_wait3A_41 = arith.constant 0 : i32
      %dma_wait3A_42 = tpu.memref_slice %arg10[%add3A_25, %dma_wait3A_41] : memref<10240x128xf32, #tpu.memory_space<vmem_shared>> -> memref<128x128xf32, #tpu.memory_space<vmem_shared>>
      tpu.wait_dma2 semaphore(%run_scoped3A : memref<!tpu.dma_semaphore, #tpu.memory_space<semaphore_mem>>) src(%arg9 : memref<128x128xf32, #tpu.memory_space<vmem>>) dst(%dma_wait3A_42 : memref<128x128xf32, #tpu.memory_space<vmem_shared>>)
      tpu.yield
    }) : () -> ()
    %barrier3A = arith.constant 0 : index
    tpu.barrier barrier_id(%barrier3A)
    %scan3A_26 = arith.constant 0 : i32
    %scan3A_27 = arith.constant 0 : i32
    %scan3A_28 = arith.constant 79 : i32
    %scan3A_29 = arith.addi %scan3A_27, %scan3A_28 : i32
    %scan3A_30 = arith.constant 1 : i32
    scf.for %scan3A_37 = %scan3A_27 to %scan3A_29 step %scan3A_30  : i32 {
      %mul3A_38 = arith.constant 79 : i32
      %mul3A_39 = arith.muli %add3A, %mul3A_38 : i32
      %add3A_40 = arith.addi %mul3A_39, %scan3A_37 : i32
      "tpu.region"() ({
        %run_scoped3A = tpu.sem_alloc : memref<!tpu.dma_semaphore, #tpu.memory_space<semaphore_mem>>
        %dma_start3A_48 = arith.constant 0 : i32
        %dma_start3A_49 = tpu.memref_slice %arg3[%add3A_40, %dma_start3A_48] : memref<2528x128xi32, #tpu.memory_space<hbm>> -> memref<1x128xi32, #tpu.memory_space<hbm>>
        %dma_start3A_50 = tpu.memref_squeeze %dma_start3A_49 : memref<1x128xi32, #tpu.memory_space<hbm>> -> memref<128xi32, #tpu.memory_space<hbm>>
        %dma_start3A_51 = arith.constant 0 : i32
        %dma_start3A_52 = tpu.memref_slice %arg3[%add3A_40, %dma_start3A_51] : memref<2528x128xi32, #tpu.memory_space<hbm>> -> memref<1x128xi32, #tpu.memory_space<hbm>>
        %dma_start3A_53 = tpu.memref_squeeze %dma_start3A_52 : memref<1x128xi32, #tpu.memory_space<hbm>> -> memref<128xi32, #tpu.memory_space<hbm>>
        tpu.enqueue_dma source(%dma_start3A_53 : memref<128xi32, #tpu.memory_space<hbm>>) target(%arg6 : memref<128xi32, #tpu.memory_space<vmem>>) target_semaphore(%run_scoped3A : memref<!tpu.dma_semaphore, #tpu.memory_space<semaphore_mem>>)
        %dma_wait3A_54 = arith.constant 0 : i32
        %dma_wait3A_55 = tpu.memref_slice %arg3[%add3A_40, %dma_wait3A_54] : memref<2528x128xi32, #tpu.memory_space<hbm>> -> memref<1x128xi32, #tpu.memory_space<hbm>>
        %dma_wait3A_56 = tpu.memref_squeeze %dma_wait3A_55 : memref<1x128xi32, #tpu.memory_space<hbm>> -> memref<128xi32, #tpu.memory_space<hbm>>
        %dma_wait3A_57 = arith.constant 0 : i32
        %dma_wait3A_58 = tpu.memref_slice %arg3[%add3A_40, %dma_wait3A_57] : memref<2528x128xi32, #tpu.memory_space<hbm>> -> memref<1x128xi32, #tpu.memory_space<hbm>>
        %dma_wait3A_59 = tpu.memref_squeeze %dma_wait3A_58 : memref<1x128xi32, #tpu.memory_space<hbm>> -> memref<128xi32, #tpu.memory_space<hbm>>
        tpu.wait_dma2 semaphore(%run_scoped3A : memref<!tpu.dma_semaphore, #tpu.memory_space<semaphore_mem>>) src(%dma_wait3A_59 : memref<128xi32, #tpu.memory_space<hbm>>) dst(%arg6 : memref<128xi32, #tpu.memory_space<vmem>>)
        tpu.yield
      }) : () -> ()
      %mul3A_41 = arith.constant 79 : i32
      %mul3A_42 = arith.muli %add3A, %mul3A_41 : i32
      %add3A_43 = arith.addi %mul3A_42, %scan3A_37 : i32
      "tpu.region"() ({
        %run_scoped3A = tpu.sem_alloc : memref<!tpu.dma_semaphore, #tpu.memory_space<semaphore_mem>>
        %dma_start3A_48 = arith.constant 0 : i32
        %dma_start3A_49 = tpu.memref_slice %arg4[%add3A_43, %dma_start3A_48] : memref<2528x128xi32, #tpu.memory_space<hbm>> -> memref<1x128xi32, #tpu.memory_space<hbm>>
        %dma_start3A_50 = tpu.memref_squeeze %dma_start3A_49 : memref<1x128xi32, #tpu.memory_space<hbm>> -> memref<128xi32, #tpu.memory_space<hbm>>
        %dma_start3A_51 = arith.constant 0 : i32
        %dma_start3A_52 = tpu.memref_slice %arg4[%add3A_43, %dma_start3A_51] : memref<2528x128xi32, #tpu.memory_space<hbm>> -> memref<1x128xi32, #tpu.memory_space<hbm>>
        %dma_start3A_53 = tpu.memref_squeeze %dma_start3A_52 : memref<1x128xi32, #tpu.memory_space<hbm>> -> memref<128xi32, #tpu.memory_space<hbm>>
        tpu.enqueue_dma source(%dma_start3A_53 : memref<128xi32, #tpu.memory_space<hbm>>) target(%arg7 : memref<128xi32, #tpu.memory_space<vmem>>) target_semaphore(%run_scoped3A : memref<!tpu.dma_semaphore, #tpu.memory_space<semaphore_mem>>)
        %dma_wait3A_54 = arith.constant 0 : i32
        %dma_wait3A_55 = tpu.memref_slice %arg4[%add3A_43, %dma_wait3A_54] : memref<2528x128xi32, #tpu.memory_space<hbm>> -> memref<1x128xi32, #tpu.memory_space<hbm>>
        %dma_wait3A_56 = tpu.memref_squeeze %dma_wait3A_55 : memref<1x128xi32, #tpu.memory_space<hbm>> -> memref<128xi32, #tpu.memory_space<hbm>>
        %dma_wait3A_57 = arith.constant 0 : i32
        %dma_wait3A_58 = tpu.memref_slice %arg4[%add3A_43, %dma_wait3A_57] : memref<2528x128xi32, #tpu.memory_space<hbm>> -> memref<1x128xi32, #tpu.memory_space<hbm>>
        %dma_wait3A_59 = tpu.memref_squeeze %dma_wait3A_58 : memref<1x128xi32, #tpu.memory_space<hbm>> -> memref<128xi32, #tpu.memory_space<hbm>>
        tpu.wait_dma2 semaphore(%run_scoped3A : memref<!tpu.dma_semaphore, #tpu.memory_space<semaphore_mem>>) src(%dma_wait3A_59 : memref<128xi32, #tpu.memory_space<hbm>>) dst(%arg7 : memref<128xi32, #tpu.memory_space<vmem>>)
        tpu.yield
      }) : () -> ()
      %dma_start3A = arith.constant 0 : i32
      %dma_start3A_44 = arith.constant 0 : i32
      %dma_start3A_45 = tpu.memref_slice %arg2[%dma_start3A, %dma_start3A_44] : memref<10000x128xf32, #tpu.memory_space<hbm>> -> memref<10000x128xf32, #tpu.memory_space<hbm>>
      tpu.enqueue_indirect_dma source(%dma_start3A_45 : memref<10000x128xf32, #tpu.memory_space<hbm>>) target(%arg8 : memref<128x128xf32, #tpu.memory_space<vmem>>) offsets(%arg6 : memref<128xi32, #tpu.memory_space<vmem>>) semaphore(%arg11 : memref<!tpu.dma_semaphore, #tpu.memory_space<semaphore_mem>>)
      %dma_wait3A = arith.constant 0 : i32
      %dma_wait3A_46 = arith.constant 0 : i32
      %dma_wait3A_47 = tpu.memref_slice %arg2[%dma_wait3A, %dma_wait3A_46] : memref<10000x128xf32, #tpu.memory_space<hbm>> -> memref<10000x128xf32, #tpu.memory_space<hbm>>
      tpu.wait_indirect_dma semaphore(%arg11 : memref<!tpu.dma_semaphore, #tpu.memory_space<semaphore_mem>>) src(%dma_wait3A_47 : memref<10000x128xf32, #tpu.memory_space<hbm>>) dst(%arg8 : memref<128x128xf32, #tpu.memory_space<vmem>>)
      "tpu.region"() ({
        %run_scoped3A = tpu.sem_alloc : memref<!tpu.dma_semaphore, #tpu.memory_space<semaphore_mem>>
        %dma_start3A_48 = arith.constant 0 : i32
        %dma_start3A_49 = arith.constant 0 : i32
        %dma_start3A_50 = tpu.memref_slice %arg10[%dma_start3A_48, %dma_start3A_49] : memref<10240x128xf32, #tpu.memory_space<vmem_shared>> -> memref<10240x128xf32, #tpu.memory_space<vmem_shared>>
        tpu.enqueue_indirect_dma source(%arg8 : memref<128x128xf32, #tpu.memory_space<vmem>>) target(%dma_start3A_50 : memref<10240x128xf32, #tpu.memory_space<vmem_shared>>) offsets(%arg7 : memref<128xi32, #tpu.memory_space<vmem>>) semaphore(%run_scoped3A : memref<!tpu.dma_semaphore, #tpu.memory_space<semaphore_mem>>) {add = true}
        %dma_wait3A_51 = arith.constant 0 : i32
        %dma_wait3A_52 = arith.constant 0 : i32
        %dma_wait3A_53 = tpu.memref_slice %arg10[%dma_wait3A_51, %dma_wait3A_52] : memref<10240x128xf32, #tpu.memory_space<vmem_shared>> -> memref<10240x128xf32, #tpu.memory_space<vmem_shared>>
        tpu.wait_indirect_dma semaphore(%run_scoped3A : memref<!tpu.dma_semaphore, #tpu.memory_space<semaphore_mem>>) src(%arg8 : memref<128x128xf32, #tpu.memory_space<vmem>>) dst(%dma_wait3A_53 : memref<10240x128xf32, #tpu.memory_space<vmem_shared>>)
        tpu.yield
      }) : () -> ()
    }
    %scan3A_31 = arith.constant 79 : i32
    %barrier3A_32 = arith.constant 0 : index
    tpu.barrier barrier_id(%barrier3A_32)
    %mul3A_33 = arith.constant 640 : i32
    %mul3A_34 = arith.muli %arg1, %mul3A_33 : i32
    %mul3A_35 = arith.constant 640 : i32
    %mul3A_36 = arith.muli %arg1, %mul3A_35 : i32
    "tpu.region"() ({
      %run_scoped3A = tpu.sem_alloc : memref<!tpu.dma_semaphore, #tpu.memory_space<semaphore_mem>>
      %dma_start3A = arith.constant 0 : i32
      %dma_start3A_37 = tpu.memref_slice %arg5[%arg0, %mul3A_36, %dma_start3A] : memref<2x10240x128xf32, #tpu.memory_space<hbm>> -> memref<1x640x128xf32, #tpu.memory_space<hbm>>
      %dma_start3A_38 = tpu.memref_squeeze %dma_start3A_37 : memref<1x640x128xf32, #tpu.memory_space<hbm>> -> memref<640x128xf32, #tpu.memory_space<hbm>>
      %dma_start3A_39 = arith.constant 0 : i32
      %dma_start3A_40 = tpu.memref_slice %arg10[%mul3A_34, %dma_start3A_39] : memref<10240x128xf32, #tpu.memory_space<vmem_shared>> -> memref<640x128xf32, #tpu.memory_space<vmem_shared>>
      tpu.enqueue_dma source(%dma_start3A_40 : memref<640x128xf32, #tpu.memory_space<vmem_shared>>) target(%dma_start3A_38 : memref<640x128xf32, #tpu.memory_space<hbm>>) target_semaphore(%run_scoped3A : memref<!tpu.dma_semaphore, #tpu.memory_space<semaphore_mem>>)
      %dma_wait3A = arith.constant 0 : i32
      %dma_wait3A_41 = tpu.memref_slice %arg5[%arg0, %mul3A_36, %dma_wait3A] : memref<2x10240x128xf32, #tpu.memory_space<hbm>> -> memref<1x640x128xf32, #tpu.memory_space<hbm>>
      %dma_wait3A_42 = tpu.memref_squeeze %dma_wait3A_41 : memref<1x640x128xf32, #tpu.memory_space<hbm>> -> memref<640x128xf32, #tpu.memory_space<hbm>>
      %dma_wait3A_43 = arith.constant 0 : i32
      %dma_wait3A_44 = tpu.memref_slice %arg10[%mul3A_34, %dma_wait3A_43] : memref<10240x128xf32, #tpu.memory_space<vmem_shared>> -> memref<640x128xf32, #tpu.memory_space<vmem_shared>>
      tpu.wait_dma2 semaphore(%run_scoped3A : memref<!tpu.dma_semaphore, #tpu.memory_space<semaphore_mem>>) src(%dma_wait3A_44 : memref<640x128xf32, #tpu.memory_space<vmem_shared>>) dst(%dma_wait3A_42 : memref<640x128xf32, #tpu.memory_space<hbm>>)
      tpu.yield
    }) : () -> ()
    return
  }
}

module attributes {stable_mosaic.version = 14 : i64} {
  func.func @_tc_in_body(%arg0: i32, %arg1: memref<1000x128xf32, #tpu.memory_space<vmem>>, %arg2: memref<128x128xf32, #tpu.memory_space<vmem>>, %arg3: memref<128xf32, #tpu.memory_space<vmem>>, %arg4: memref<2x1000x16xf32, #tpu.memory_space<vmem>>, %arg5: memref<128xf32, #tpu.memory_space<vmem>>, %arg6: memref<128xf32, #tpu.memory_space<vmem>>, %arg7: memref<1000x128xf32, #tpu.memory_space<vmem>>, %arg8: memref<1000x128xf32, #tpu.memory_space<vmem>>) attributes {dimension_semantics = [#tpu.dimension_semantics<arbitrary>], iteration_bounds = array<i64: 10>, scalar_prefetch = 0 : i64, scratch_operands = 0 : i64, tpu.core_type = #tpu.core_type<tc>, window_params = [{transform_indices = @transform_0, window_bounds = array<i64: 1000, 128>}, {pipeline_mode = #tpu.pipeline_mode<synchronous>, transform_indices = @transform_1, window_bounds = array<i64: 128, 128>}, {pipeline_mode = #tpu.pipeline_mode<synchronous>, transform_indices = @transform_2, window_bounds = array<i64: 128>}, {transform_indices = @transform_3, window_bounds = array<i64: 2, 1000, 16>}, {pipeline_mode = #tpu.pipeline_mode<synchronous>, transform_indices = @transform_4, window_bounds = array<i64: 128>}, {pipeline_mode = #tpu.pipeline_mode<synchronous>, transform_indices = @transform_5, window_bounds = array<i64: 128>}, {transform_indices = @transform_6, window_bounds = array<i64: 1000, 128>}, {transform_indices = @transform_7, window_bounds = array<i64: 1000, 128>}]} {
    %get3A = arith.constant 0 : index
    %get3A_0 = arith.constant 0 : index
    %get3A_1 = vector.load %arg1[%get3A, %get3A_0] : memref<1000x128xf32, #tpu.memory_space<vmem>>, vector<1000x128xf32>
    %get3A_2 = arith.constant 0 : index
    %get3A_3 = arith.constant 0 : index
    %get3A_4 = vector.load %arg2[%get3A_2, %get3A_3] : memref<128x128xf32, #tpu.memory_space<vmem>>, vector<128x128xf32>
    %dot_general3A = arith.constant dense<0.000000e+00> : vector<1000x128xf32>
    %dot_general3A_5 = tpu.matmul %get3A_1, %get3A_4, %dot_general3A {dimension_numbers = #tpu.dot_dimension_numbers<[1], [0], [0], [1], [0, 0, 1, 1], [], []>, transpose_lhs_hint = false} : vector<1000x128xf32>, vector<128x128xf32>, vector<1000x128xf32> -> vector<1000x128xf32>
    %get3A_6 = arith.constant 0 : index
    %get3A_7 = vector.load %arg3[%get3A_6] : memref<128xf32, #tpu.memory_space<vmem>>, vector<128xf32>
    %broadcast_in_dim3A = vector.shape_cast %get3A_7 : vector<128xf32> to vector<1x128xf32>
    %add3A = vector.broadcast %broadcast_in_dim3A : vector<1x128xf32> to vector<1000x128xf32>
    %add3A_8 = arith.addf %dot_general3A_5, %add3A : vector<1000x128xf32>
    %integer_pow3A = arith.mulf %add3A_8, %add3A_8 : vector<1000x128xf32>
    %integer_pow3A_9 = arith.mulf %add3A_8, %integer_pow3A : vector<1000x128xf32>
    %mul3A = arith.constant 4.471500e-02 : f32
    %mul3A_10 = vector.broadcast %mul3A : f32 to vector<1000x128xf32>
    %mul3A_11 = arith.mulf %mul3A_10, %integer_pow3A_9 : vector<1000x128xf32>
    %add3A_12 = arith.addf %add3A_8, %mul3A_11 : vector<1000x128xf32>
    %mul3A_13 = arith.constant 0.797884583 : f32
    %mul3A_14 = vector.broadcast %mul3A_13 : f32 to vector<1000x128xf32>
    %mul3A_15 = arith.mulf %mul3A_14, %add3A_12 : vector<1000x128xf32>
    %tanh3A = math.tanh %mul3A_15 : vector<1000x128xf32>
    %add3A_16 = arith.constant 1.000000e+00 : f32
    %add3A_17 = vector.broadcast %add3A_16 : f32 to vector<1000x128xf32>
    %add3A_18 = arith.addf %add3A_17, %tanh3A : vector<1000x128xf32>
    %mul3A_19 = arith.constant 5.000000e-01 : f32
    %mul3A_20 = vector.broadcast %mul3A_19 : f32 to vector<1000x128xf32>
    %mul3A_21 = arith.mulf %mul3A_20, %add3A_18 : vector<1000x128xf32>
    %mul3A_22 = arith.mulf %add3A_8, %mul3A_21 : vector<1000x128xf32>
    %swap3A = arith.constant 0 : index
    %swap3A_23 = arith.constant 0 : index
    %swap3A_24 = vector.load %arg7[%swap3A, %swap3A_23] : memref<1000x128xf32, #tpu.memory_space<vmem>>, vector<1000x128xf32>
    tpu.vector_store %arg7[%swap3A, %swap3A_23], %mul3A_22 {strides = array<i32>} : memref<1000x128xf32, #tpu.memory_space<vmem>>, vector<1000x128xf32>,
    %get3A_25 = arith.constant 0 : index
    %get3A_26 = vector.load %arg5[%get3A_25] : memref<128xf32, #tpu.memory_space<vmem>>, vector<128xf32>
    %get3A_27 = arith.constant 0 : index
    %get3A_28 = vector.load %arg6[%get3A_27] : memref<128xf32, #tpu.memory_space<vmem>>, vector<128xf32>
    %reduce_sum3A = arith.constant dense<0.000000e+00> : vector<1000xf32>
    %reduce_sum3A_29 = vector.multi_reduction <add>, %mul3A_22, %reduce_sum3A [1] : vector<1000x128xf32> to vector<1000xf32>
    %broadcast_in_dim3A_30 = vector.shape_cast %reduce_sum3A_29 : vector<1000xf32> to vector<1000x1xf32>
    %div3A = arith.constant 1.280000e+02 : f32
    %div3A_31 = vector.broadcast %div3A : f32 to vector<1000x1xf32>
    %div3A_32 = arith.divf %broadcast_in_dim3A_30, %div3A_31 : vector<1000x1xf32>
    %sub3A = vector.broadcast %div3A_32 : vector<1000x1xf32> to vector<1000x128xf32>
    %sub3A_33 = arith.subf %mul3A_22, %sub3A : vector<1000x128xf32>
    %integer_pow3A_34 = arith.mulf %sub3A_33, %sub3A_33 : vector<1000x128xf32>
    %reduce_sum3A_35 = arith.constant dense<0.000000e+00> : vector<1000xf32>
    %reduce_sum3A_36 = vector.multi_reduction <add>, %integer_pow3A_34, %reduce_sum3A_35 [1] : vector<1000x128xf32> to vector<1000xf32>
    %broadcast_in_dim3A_37 = vector.shape_cast %reduce_sum3A_36 : vector<1000xf32> to vector<1000x1xf32>
    %div3A_38 = arith.constant 1.280000e+02 : f32
    %div3A_39 = vector.broadcast %div3A_38 : f32 to vector<1000x1xf32>
    %div3A_40 = arith.divf %broadcast_in_dim3A_37, %div3A_39 : vector<1000x1xf32>
    %sub3A_41 = vector.broadcast %div3A_32 : vector<1000x1xf32> to vector<1000x128xf32>
    %sub3A_42 = arith.subf %mul3A_22, %sub3A_41 : vector<1000x128xf32>
    %add3A_43 = arith.constant 9.99999974E-6 : f32
    %add3A_44 = vector.broadcast %add3A_43 : f32 to vector<1000x1xf32>
    %add3A_45 = arith.addf %div3A_40, %add3A_44 : vector<1000x1xf32>
    %rsqrt3A = math.rsqrt %add3A_45 : vector<1000x1xf32>
    %mul3A_46 = vector.broadcast %rsqrt3A : vector<1000x1xf32> to vector<1000x128xf32>
    %mul3A_47 = arith.mulf %sub3A_42, %mul3A_46 : vector<1000x128xf32>
    %broadcast_in_dim3A_48 = vector.shape_cast %get3A_26 : vector<128xf32> to vector<1x128xf32>
    %mul3A_49 = vector.broadcast %broadcast_in_dim3A_48 : vector<1x128xf32> to vector<1000x128xf32>
    %mul3A_50 = arith.mulf %mul3A_47, %mul3A_49 : vector<1000x128xf32>
    %broadcast_in_dim3A_51 = vector.shape_cast %get3A_28 : vector<128xf32> to vector<1x128xf32>
    %add3A_52 = vector.broadcast %broadcast_in_dim3A_51 : vector<1x128xf32> to vector<1000x128xf32>
    %add3A_53 = arith.addf %mul3A_50, %add3A_52 : vector<1000x128xf32>
    %get3A_54 = arith.constant 0 : index
    %get3A_55 = arith.constant 0 : index
    %get3A_56 = arith.constant 0 : index
    %get3A_57 = vector.load %arg4[%get3A_54, %get3A_55, %get3A_56] : memref<2x1000x16xf32, #tpu.memory_space<vmem>>, vector<1x1000x1xf32>
    %get3A_58 = vector.shape_cast %get3A_57 : vector<1x1000x1xf32> to vector<1000x1xf32>
    %get3A_59 = arith.constant 1 : index
    %get3A_60 = arith.constant 0 : index
    %get3A_61 = arith.constant 0 : index
    %get3A_62 = vector.load %arg4[%get3A_59, %get3A_60, %get3A_61] : memref<2x1000x16xf32, #tpu.memory_space<vmem>>, vector<1x1000x1xf32>
    %get3A_63 = vector.shape_cast %get3A_62 : vector<1x1000x1xf32> to vector<1000x1xf32>
    %add3A_64 = arith.addf %get3A_58, %get3A_63 : vector<1000x1xf32>
    %max3A = arith.constant 1.000000e+00 : f32
    %max3A_65 = vector.broadcast %max3A : f32 to vector<1000x1xf32>
    %max3A_66 = arith.maximumf %add3A_64, %max3A_65 : vector<1000x1xf32>
    %rsqrt3A_67 = math.rsqrt %max3A_66 : vector<1000x1xf32>
    %mul3A_68 = vector.broadcast %rsqrt3A_67 : vector<1000x1xf32> to vector<1000x128xf32>
    %mul3A_69 = arith.mulf %add3A_53, %mul3A_68 : vector<1000x128xf32>
    %swap3A_70 = arith.constant 0 : index
    %swap3A_71 = arith.constant 0 : index
    %swap3A_72 = vector.load %arg8[%swap3A_70, %swap3A_71] : memref<1000x128xf32, #tpu.memory_space<vmem>>, vector<1000x128xf32>
    tpu.vector_store %arg8[%swap3A_70, %swap3A_71], %mul3A_69 {strides = array<i32>} : memref<1000x128xf32, #tpu.memory_space<vmem>>, vector<1000x128xf32>,
    return
  }
  func.func @transform_0(%arg0: i32) -> (i32, i32) {
    %c0_i32 = arith.constant 0 : i32
    %c0_i32_0 = arith.constant 0 : i32
    return %arg0, %c0_i32 : i32, i32
  }
  func.func @transform_1(%arg0: i32) -> (i32, i32) {
    %c0_i32 = arith.constant 0 : i32
    %c0_i32_0 = arith.constant 0 : i32
    %c0_i32_1 = arith.constant 0 : i32
    return %c0_i32, %c0_i32_0 : i32, i32
  }
  func.func @transform_2(%arg0: i32) -> i32 {
    %c0_i32 = arith.constant 0 : i32
    %c0_i32_0 = arith.constant 0 : i32
    return %c0_i32 : i32
  }
  func.func @transform_3(%arg0: i32) -> (i32, i32, i32) {
    %c0_i32 = arith.constant 0 : i32
    %c0_i32_0 = arith.constant 0 : i32
    %c0_i32_1 = arith.constant 0 : i32
    return %c0_i32, %arg0, %c0_i32_0 : i32, i32, i32
  }
  func.func @transform_4(%arg0: i32) -> i32 {
    %c0_i32 = arith.constant 0 : i32
    %c0_i32_0 = arith.constant 0 : i32
    return %c0_i32 : i32
  }
  func.func @transform_5(%arg0: i32) -> i32 {
    %c0_i32 = arith.constant 0 : i32
    %c0_i32_0 = arith.constant 0 : i32
    return %c0_i32 : i32
  }
  func.func @transform_6(%arg0: i32) -> (i32, i32) {
    %c0_i32 = arith.constant 0 : i32
    %c0_i32_0 = arith.constant 0 : i32
    return %arg0, %c0_i32 : i32, i32
  }
  func.func @transform_7(%arg0: i32) -> (i32, i32) {
    %c0_i32 = arith.constant 0 : i32
    %c0_i32_0 = arith.constant 0 : i32
    return %arg0, %c0_i32 : i32, i32
  }
}

module attributes {stable_mosaic.version = 14 : i64} {
  func.func @_tc_mid_body(%arg0: i32, %arg1: memref<1000x128xf32, #tpu.memory_space<vmem>>, %arg2: memref<2x1000x128xf32, #tpu.memory_space<vmem>>, %arg3: memref<2x1000x16xf32, #tpu.memory_space<vmem>>, %arg4: memref<128x128xf32, #tpu.memory_space<vmem>>, %arg5: memref<128xf32, #tpu.memory_space<vmem>>, %arg6: memref<128x128xf32, #tpu.memory_space<vmem>>, %arg7: memref<128xf32, #tpu.memory_space<vmem>>, %arg8: memref<128xf32, #tpu.memory_space<vmem>>, %arg9: memref<128xf32, #tpu.memory_space<vmem>>, %arg10: memref<1000x128xf32, #tpu.memory_space<vmem>>, %arg11: memref<1000x128xf32, #tpu.memory_space<vmem>>) attributes {dimension_semantics = [#tpu.dimension_semantics<arbitrary>], iteration_bounds = array<i64: 10>, scalar_prefetch = 0 : i64, scratch_operands = 0 : i64, tpu.core_type = #tpu.core_type<tc>, window_params = [{transform_indices = @transform_0, window_bounds = array<i64: 1000, 128>}, {transform_indices = @transform_1, window_bounds = array<i64: 2, 1000, 128>}, {transform_indices = @transform_2, window_bounds = array<i64: 2, 1000, 16>}, {pipeline_mode = #tpu.pipeline_mode<synchronous>, transform_indices = @transform_3, window_bounds = array<i64: 128, 128>}, {pipeline_mode = #tpu.pipeline_mode<synchronous>, transform_indices = @transform_4, window_bounds = array<i64: 128>}, {pipeline_mode = #tpu.pipeline_mode<synchronous>, transform_indices = @transform_5, window_bounds = array<i64: 128, 128>}, {pipeline_mode = #tpu.pipeline_mode<synchronous>, transform_indices = @transform_6, window_bounds = array<i64: 128>}, {pipeline_mode = #tpu.pipeline_mode<synchronous>, transform_indices = @transform_7, window_bounds = array<i64: 128>}, {pipeline_mode = #tpu.pipeline_mode<synchronous>, transform_indices = @transform_8, window_bounds = array<i64: 128>}, {transform_indices = @transform_9, window_bounds = array<i64: 1000, 128>}, {transform_indices = @transform_10, window_bounds = array<i64: 1000, 128>}]} {
    %get3A = arith.constant 0 : index
    %get3A_0 = arith.constant 0 : index
    %get3A_1 = arith.constant 0 : index
    %get3A_2 = vector.load %arg3[%get3A, %get3A_0, %get3A_1] : memref<2x1000x16xf32, #tpu.memory_space<vmem>>, vector<1x1000x1xf32>
    %get3A_3 = vector.shape_cast %get3A_2 : vector<1x1000x1xf32> to vector<1000x1xf32>
    %get3A_4 = arith.constant 1 : index
    %get3A_5 = arith.constant 0 : index
    %get3A_6 = arith.constant 0 : index
    %get3A_7 = vector.load %arg3[%get3A_4, %get3A_5, %get3A_6] : memref<2x1000x16xf32, #tpu.memory_space<vmem>>, vector<1x1000x1xf32>
    %get3A_8 = vector.shape_cast %get3A_7 : vector<1x1000x1xf32> to vector<1000x1xf32>
    %add3A = arith.addf %get3A_3, %get3A_8 : vector<1000x1xf32>
    %max3A = arith.constant 1.000000e+00 : f32
    %max3A_9 = vector.broadcast %max3A : f32 to vector<1000x1xf32>
    %max3A_10 = arith.maximumf %add3A, %max3A_9 : vector<1000x1xf32>
    %rsqrt3A = math.rsqrt %max3A_10 : vector<1000x1xf32>
    %get3A_11 = arith.constant 0 : index
    %get3A_12 = arith.constant 0 : index
    %get3A_13 = arith.constant 0 : index
    %get3A_14 = vector.load %arg2[%get3A_11, %get3A_12, %get3A_13] : memref<2x1000x128xf32, #tpu.memory_space<vmem>>, vector<1x1000x128xf32>
    %get3A_15 = vector.shape_cast %get3A_14 : vector<1x1000x128xf32> to vector<1000x128xf32>
    %get3A_16 = arith.constant 1 : index
    %get3A_17 = arith.constant 0 : index
    %get3A_18 = arith.constant 0 : index
    %get3A_19 = vector.load %arg2[%get3A_16, %get3A_17, %get3A_18] : memref<2x1000x128xf32, #tpu.memory_space<vmem>>, vector<1x1000x128xf32>
    %get3A_20 = vector.shape_cast %get3A_19 : vector<1x1000x128xf32> to vector<1000x128xf32>
    %add3A_21 = arith.addf %get3A_15, %get3A_20 : vector<1000x128xf32>
    %mul3A = vector.broadcast %rsqrt3A : vector<1000x1xf32> to vector<1000x128xf32>
    %mul3A_22 = arith.mulf %add3A_21, %mul3A : vector<1000x128xf32>
    %get3A_23 = arith.constant 0 : index
    %get3A_24 = arith.constant 0 : index
    %get3A_25 = vector.load %arg4[%get3A_23, %get3A_24] : memref<128x128xf32, #tpu.memory_space<vmem>>, vector<128x128xf32>
    %dot_general3A = arith.constant dense<0.000000e+00> : vector<1000x128xf32>
    %dot_general3A_26 = tpu.matmul %mul3A_22, %get3A_25, %dot_general3A {dimension_numbers = #tpu.dot_dimension_numbers<[1], [0], [0], [1], [0, 0, 1, 1], [], []>, transpose_lhs_hint = false} : vector<1000x128xf32>, vector<128x128xf32>, vector<1000x128xf32> -> vector<1000x128xf32>
    %get3A_27 = arith.constant 0 : index
    %get3A_28 = vector.load %arg5[%get3A_27] : memref<128xf32, #tpu.memory_space<vmem>>, vector<128xf32>
    %broadcast_in_dim3A = vector.shape_cast %get3A_28 : vector<128xf32> to vector<1x128xf32>
    %add3A_29 = vector.broadcast %broadcast_in_dim3A : vector<1x128xf32> to vector<1000x128xf32>
    %add3A_30 = arith.addf %dot_general3A_26, %add3A_29 : vector<1000x128xf32>
    %integer_pow3A = arith.mulf %add3A_30, %add3A_30 : vector<1000x128xf32>
    %integer_pow3A_31 = arith.mulf %add3A_30, %integer_pow3A : vector<1000x128xf32>
    %mul3A_32 = arith.constant 4.471500e-02 : f32
    %mul3A_33 = vector.broadcast %mul3A_32 : f32 to vector<1000x128xf32>
    %mul3A_34 = arith.mulf %mul3A_33, %integer_pow3A_31 : vector<1000x128xf32>
    %add3A_35 = arith.addf %add3A_30, %mul3A_34 : vector<1000x128xf32>
    %mul3A_36 = arith.constant 0.797884583 : f32
    %mul3A_37 = vector.broadcast %mul3A_36 : f32 to vector<1000x128xf32>
    %mul3A_38 = arith.mulf %mul3A_37, %add3A_35 : vector<1000x128xf32>
    %tanh3A = math.tanh %mul3A_38 : vector<1000x128xf32>
    %add3A_39 = arith.constant 1.000000e+00 : f32
    %add3A_40 = vector.broadcast %add3A_39 : f32 to vector<1000x128xf32>
    %add3A_41 = arith.addf %add3A_40, %tanh3A : vector<1000x128xf32>
    %mul3A_42 = arith.constant 5.000000e-01 : f32
    %mul3A_43 = vector.broadcast %mul3A_42 : f32 to vector<1000x128xf32>
    %mul3A_44 = arith.mulf %mul3A_43, %add3A_41 : vector<1000x128xf32>
    %mul3A_45 = arith.mulf %add3A_30, %mul3A_44 : vector<1000x128xf32>
    %get3A_46 = arith.constant 0 : index
    %get3A_47 = arith.constant 0 : index
    %get3A_48 = vector.load %arg6[%get3A_46, %get3A_47] : memref<128x128xf32, #tpu.memory_space<vmem>>, vector<128x128xf32>
    %dot_general3A_49 = arith.constant dense<0.000000e+00> : vector<1000x128xf32>
    %dot_general3A_50 = tpu.matmul %mul3A_45, %get3A_48, %dot_general3A_49 {dimension_numbers = #tpu.dot_dimension_numbers<[1], [0], [0], [1], [0, 0, 1, 1], [], []>, transpose_lhs_hint = false} : vector<1000x128xf32>, vector<128x128xf32>, vector<1000x128xf32> -> vector<1000x128xf32>
    %get3A_51 = arith.constant 0 : index
    %get3A_52 = vector.load %arg7[%get3A_51] : memref<128xf32, #tpu.memory_space<vmem>>, vector<128xf32>
    %broadcast_in_dim3A_53 = vector.shape_cast %get3A_52 : vector<128xf32> to vector<1x128xf32>
    %add3A_54 = vector.broadcast %broadcast_in_dim3A_53 : vector<1x128xf32> to vector<1000x128xf32>
    %add3A_55 = arith.addf %dot_general3A_50, %add3A_54 : vector<1000x128xf32>
    %get3A_56 = arith.constant 0 : index
    %get3A_57 = arith.constant 0 : index
    %get3A_58 = vector.load %arg1[%get3A_56, %get3A_57] : memref<1000x128xf32, #tpu.memory_space<vmem>>, vector<1000x128xf32>
    %add3A_59 = arith.addf %get3A_58, %add3A_55 : vector<1000x128xf32>
    %swap3A = arith.constant 0 : index
    %swap3A_60 = arith.constant 0 : index
    %swap3A_61 = vector.load %arg10[%swap3A, %swap3A_60] : memref<1000x128xf32, #tpu.memory_space<vmem>>, vector<1000x128xf32>
    tpu.vector_store %arg10[%swap3A, %swap3A_60], %add3A_59 {strides = array<i32>} : memref<1000x128xf32, #tpu.memory_space<vmem>>, vector<1000x128xf32>,
    %get3A_62 = arith.constant 0 : index
    %get3A_63 = vector.load %arg8[%get3A_62] : memref<128xf32, #tpu.memory_space<vmem>>, vector<128xf32>
    %get3A_64 = arith.constant 0 : index
    %get3A_65 = vector.load %arg9[%get3A_64] : memref<128xf32, #tpu.memory_space<vmem>>, vector<128xf32>
    %reduce_sum3A = arith.constant dense<0.000000e+00> : vector<1000xf32>
    %reduce_sum3A_66 = vector.multi_reduction <add>, %add3A_59, %reduce_sum3A [1] : vector<1000x128xf32> to vector<1000xf32>
    %broadcast_in_dim3A_67 = vector.shape_cast %reduce_sum3A_66 : vector<1000xf32> to vector<1000x1xf32>
    %div3A = arith.constant 1.280000e+02 : f32
    %div3A_68 = vector.broadcast %div3A : f32 to vector<1000x1xf32>
    %div3A_69 = arith.divf %broadcast_in_dim3A_67, %div3A_68 : vector<1000x1xf32>
    %sub3A = vector.broadcast %div3A_69 : vector<1000x1xf32> to vector<1000x128xf32>
    %sub3A_70 = arith.subf %add3A_59, %sub3A : vector<1000x128xf32>
    %integer_pow3A_71 = arith.mulf %sub3A_70, %sub3A_70 : vector<1000x128xf32>
    %reduce_sum3A_72 = arith.constant dense<0.000000e+00> : vector<1000xf32>
    %reduce_sum3A_73 = vector.multi_reduction <add>, %integer_pow3A_71, %reduce_sum3A_72 [1] : vector<1000x128xf32> to vector<1000xf32>
    %broadcast_in_dim3A_74 = vector.shape_cast %reduce_sum3A_73 : vector<1000xf32> to vector<1000x1xf32>
    %div3A_75 = arith.constant 1.280000e+02 : f32
    %div3A_76 = vector.broadcast %div3A_75 : f32 to vector<1000x1xf32>
    %div3A_77 = arith.divf %broadcast_in_dim3A_74, %div3A_76 : vector<1000x1xf32>
    %sub3A_78 = vector.broadcast %div3A_69 : vector<1000x1xf32> to vector<1000x128xf32>
    %sub3A_79 = arith.subf %add3A_59, %sub3A_78 : vector<1000x128xf32>
    %add3A_80 = arith.constant 9.99999974E-6 : f32
    %add3A_81 = vector.broadcast %add3A_80 : f32 to vector<1000x1xf32>
    %add3A_82 = arith.addf %div3A_77, %add3A_81 : vector<1000x1xf32>
    %rsqrt3A_83 = math.rsqrt %add3A_82 : vector<1000x1xf32>
    %mul3A_84 = vector.broadcast %rsqrt3A_83 : vector<1000x1xf32> to vector<1000x128xf32>
    %mul3A_85 = arith.mulf %sub3A_79, %mul3A_84 : vector<1000x128xf32>
    %broadcast_in_dim3A_86 = vector.shape_cast %get3A_63 : vector<128xf32> to vector<1x128xf32>
    %mul3A_87 = vector.broadcast %broadcast_in_dim3A_86 : vector<1x128xf32> to vector<1000x128xf32>
    %mul3A_88 = arith.mulf %mul3A_85, %mul3A_87 : vector<1000x128xf32>
    %broadcast_in_dim3A_89 = vector.shape_cast %get3A_65 : vector<128xf32> to vector<1x128xf32>
    %add3A_90 = vector.broadcast %broadcast_in_dim3A_89 : vector<1x128xf32> to vector<1000x128xf32>
    %add3A_91 = arith.addf %mul3A_88, %add3A_90 : vector<1000x128xf32>
    %mul3A_92 = vector.broadcast %rsqrt3A : vector<1000x1xf32> to vector<1000x128xf32>
    %mul3A_93 = arith.mulf %add3A_91, %mul3A_92 : vector<1000x128xf32>
    %swap3A_94 = arith.constant 0 : index
    %swap3A_95 = arith.constant 0 : index
    %swap3A_96 = vector.load %arg11[%swap3A_94, %swap3A_95] : memref<1000x128xf32, #tpu.memory_space<vmem>>, vector<1000x128xf32>
    tpu.vector_store %arg11[%swap3A_94, %swap3A_95], %mul3A_93 {strides = array<i32>} : memref<1000x128xf32, #tpu.memory_space<vmem>>, vector<1000x128xf32>,
    return
  }
  func.func @transform_0(%arg0: i32) -> (i32, i32) {
    %c0_i32 = arith.constant 0 : i32
    %c0_i32_0 = arith.constant 0 : i32
    return %arg0, %c0_i32 : i32, i32
  }
  func.func @transform_1(%arg0: i32) -> (i32, i32, i32) {
    %c0_i32 = arith.constant 0 : i32
    %c0_i32_0 = arith.constant 0 : i32
    %c0_i32_1 = arith.constant 0 : i32
    return %c0_i32, %arg0, %c0_i32_0 : i32, i32, i32
  }
  func.func @transform_2(%arg0: i32) -> (i32, i32, i32) {
    %c0_i32 = arith.constant 0 : i32
    %c0_i32_0 = arith.constant 0 : i32
    %c0_i32_1 = arith.constant 0 : i32
    return %c0_i32, %arg0, %c0_i32_0 : i32, i32, i32
  }
  func.func @transform_3(%arg0: i32) -> (i32, i32) {
    %c0_i32 = arith.constant 0 : i32
    %c0_i32_0 = arith.constant 0 : i32
    %c0_i32_1 = arith.constant 0 : i32
    return %c0_i32, %c0_i32_0 : i32, i32
  }
  func.func @transform_4(%arg0: i32) -> i32 {
    %c0_i32 = arith.constant 0 : i32
    %c0_i32_0 = arith.constant 0 : i32
    return %c0_i32 : i32
  }
  func.func @transform_5(%arg0: i32) -> (i32, i32) {
    %c0_i32 = arith.constant 0 : i32
    %c0_i32_0 = arith.constant 0 : i32
    %c0_i32_1 = arith.constant 0 : i32
    return %c0_i32, %c0_i32_0 : i32, i32
  }
  func.func @transform_6(%arg0: i32) -> i32 {
    %c0_i32 = arith.constant 0 : i32
    %c0_i32_0 = arith.constant 0 : i32
    return %c0_i32 : i32
  }
  func.func @transform_7(%arg0: i32) -> i32 {
    %c0_i32 = arith.constant 0 : i32
    %c0_i32_0 = arith.constant 0 : i32
    return %c0_i32 : i32
  }
  func.func @transform_8(%arg0: i32) -> i32 {
    %c0_i32 = arith.constant 0 : i32
    %c0_i32_0 = arith.constant 0 : i32
    return %c0_i32 : i32
  }
  func.func @transform_9(%arg0: i32) -> (i32, i32) {
    %c0_i32 = arith.constant 0 : i32
    %c0_i32_0 = arith.constant 0 : i32
    return %arg0, %c0_i32 : i32, i32
  }
  func.func @transform_10(%arg0: i32) -> (i32, i32) {
    %c0_i32 = arith.constant 0 : i32
    %c0_i32_0 = arith.constant 0 : i32
    return %arg0, %c0_i32 : i32, i32
  }
}

module attributes {stable_mosaic.version = 14 : i64} {
  func.func @_tc_out_body(%arg0: i32, %arg1: memref<1000x128xf32, #tpu.memory_space<vmem>>, %arg2: memref<2x1000x128xf32, #tpu.memory_space<vmem>>, %arg3: memref<2x1000x16xf32, #tpu.memory_space<vmem>>, %arg4: memref<128x128xf32, #tpu.memory_space<vmem>>, %arg5: memref<128xf32, #tpu.memory_space<vmem>>, %arg6: memref<128x128xf32, #tpu.memory_space<vmem>>, %arg7: memref<128xf32, #tpu.memory_space<vmem>>, %arg8: memref<128xf32, #tpu.memory_space<vmem>>, %arg9: memref<128xf32, #tpu.memory_space<vmem>>, %arg10: memref<128x128xf32, #tpu.memory_space<vmem>>, %arg11: memref<128xf32, #tpu.memory_space<vmem>>, %arg12: memref<1000x128xf32, #tpu.memory_space<vmem>>) attributes {dimension_semantics = [#tpu.dimension_semantics<arbitrary>], iteration_bounds = array<i64: 10>, scalar_prefetch = 0 : i64, scratch_operands = 0 : i64, tpu.core_type = #tpu.core_type<tc>, window_params = [{transform_indices = @transform_0, window_bounds = array<i64: 1000, 128>}, {transform_indices = @transform_1, window_bounds = array<i64: 2, 1000, 128>}, {transform_indices = @transform_2, window_bounds = array<i64: 2, 1000, 16>}, {pipeline_mode = #tpu.pipeline_mode<synchronous>, transform_indices = @transform_3, window_bounds = array<i64: 128, 128>}, {pipeline_mode = #tpu.pipeline_mode<synchronous>, transform_indices = @transform_4, window_bounds = array<i64: 128>}, {pipeline_mode = #tpu.pipeline_mode<synchronous>, transform_indices = @transform_5, window_bounds = array<i64: 128, 128>}, {pipeline_mode = #tpu.pipeline_mode<synchronous>, transform_indices = @transform_6, window_bounds = array<i64: 128>}, {pipeline_mode = #tpu.pipeline_mode<synchronous>, transform_indices = @transform_7, window_bounds = array<i64: 128>}, {pipeline_mode = #tpu.pipeline_mode<synchronous>, transform_indices = @transform_8, window_bounds = array<i64: 128>}, {pipeline_mode = #tpu.pipeline_mode<synchronous>, transform_indices = @transform_9, window_bounds = array<i64: 128, 128>}, {pipeline_mode = #tpu.pipeline_mode<synchronous>, transform_indices = @transform_10, window_bounds = array<i64: 128>}, {transform_indices = @transform_11, window_bounds = array<i64: 1000, 128>}]} {
    %get3A = arith.constant 0 : index
    %get3A_0 = arith.constant 0 : index
    %get3A_1 = arith.constant 0 : index
    %get3A_2 = vector.load %arg3[%get3A, %get3A_0, %get3A_1] : memref<2x1000x16xf32, #tpu.memory_space<vmem>>, vector<1x1000x1xf32>
    %get3A_3 = vector.shape_cast %get3A_2 : vector<1x1000x1xf32> to vector<1000x1xf32>
    %get3A_4 = arith.constant 1 : index
    %get3A_5 = arith.constant 0 : index
    %get3A_6 = arith.constant 0 : index
    %get3A_7 = vector.load %arg3[%get3A_4, %get3A_5, %get3A_6] : memref<2x1000x16xf32, #tpu.memory_space<vmem>>, vector<1x1000x1xf32>
    %get3A_8 = vector.shape_cast %get3A_7 : vector<1x1000x1xf32> to vector<1000x1xf32>
    %add3A = arith.addf %get3A_3, %get3A_8 : vector<1000x1xf32>
    %max3A = arith.constant 1.000000e+00 : f32
    %max3A_9 = vector.broadcast %max3A : f32 to vector<1000x1xf32>
    %max3A_10 = arith.maximumf %add3A, %max3A_9 : vector<1000x1xf32>
    %rsqrt3A = math.rsqrt %max3A_10 : vector<1000x1xf32>
    %get3A_11 = arith.constant 0 : index
    %get3A_12 = arith.constant 0 : index
    %get3A_13 = arith.constant 0 : index
    %get3A_14 = vector.load %arg2[%get3A_11, %get3A_12, %get3A_13] : memref<2x1000x128xf32, #tpu.memory_space<vmem>>, vector<1x1000x128xf32>
    %get3A_15 = vector.shape_cast %get3A_14 : vector<1x1000x128xf32> to vector<1000x128xf32>
    %get3A_16 = arith.constant 1 : index
    %get3A_17 = arith.constant 0 : index
    %get3A_18 = arith.constant 0 : index
    %get3A_19 = vector.load %arg2[%get3A_16, %get3A_17, %get3A_18] : memref<2x1000x128xf32, #tpu.memory_space<vmem>>, vector<1x1000x128xf32>
    %get3A_20 = vector.shape_cast %get3A_19 : vector<1x1000x128xf32> to vector<1000x128xf32>
    %add3A_21 = arith.addf %get3A_15, %get3A_20 : vector<1000x128xf32>
    %mul3A = vector.broadcast %rsqrt3A : vector<1000x1xf32> to vector<1000x128xf32>
    %mul3A_22 = arith.mulf %add3A_21, %mul3A : vector<1000x128xf32>
    %get3A_23 = arith.constant 0 : index
    %get3A_24 = arith.constant 0 : index
    %get3A_25 = vector.load %arg4[%get3A_23, %get3A_24] : memref<128x128xf32, #tpu.memory_space<vmem>>, vector<128x128xf32>
    %dot_general3A = arith.constant dense<0.000000e+00> : vector<1000x128xf32>
    %dot_general3A_26 = tpu.matmul %mul3A_22, %get3A_25, %dot_general3A {dimension_numbers = #tpu.dot_dimension_numbers<[1], [0], [0], [1], [0, 0, 1, 1], [], []>, transpose_lhs_hint = false} : vector<1000x128xf32>, vector<128x128xf32>, vector<1000x128xf32> -> vector<1000x128xf32>
    %get3A_27 = arith.constant 0 : index
    %get3A_28 = vector.load %arg5[%get3A_27] : memref<128xf32, #tpu.memory_space<vmem>>, vector<128xf32>
    %broadcast_in_dim3A = vector.shape_cast %get3A_28 : vector<128xf32> to vector<1x128xf32>
    %add3A_29 = vector.broadcast %broadcast_in_dim3A : vector<1x128xf32> to vector<1000x128xf32>
    %add3A_30 = arith.addf %dot_general3A_26, %add3A_29 : vector<1000x128xf32>
    %integer_pow3A = arith.mulf %add3A_30, %add3A_30 : vector<1000x128xf32>
    %integer_pow3A_31 = arith.mulf %add3A_30, %integer_pow3A : vector<1000x128xf32>
    %mul3A_32 = arith.constant 4.471500e-02 : f32
    %mul3A_33 = vector.broadcast %mul3A_32 : f32 to vector<1000x128xf32>
    %mul3A_34 = arith.mulf %mul3A_33, %integer_pow3A_31 : vector<1000x128xf32>
    %add3A_35 = arith.addf %add3A_30, %mul3A_34 : vector<1000x128xf32>
    %mul3A_36 = arith.constant 0.797884583 : f32
    %mul3A_37 = vector.broadcast %mul3A_36 : f32 to vector<1000x128xf32>
    %mul3A_38 = arith.mulf %mul3A_37, %add3A_35 : vector<1000x128xf32>
    %tanh3A = math.tanh %mul3A_38 : vector<1000x128xf32>
    %add3A_39 = arith.constant 1.000000e+00 : f32
    %add3A_40 = vector.broadcast %add3A_39 : f32 to vector<1000x128xf32>
    %add3A_41 = arith.addf %add3A_40, %tanh3A : vector<1000x128xf32>
    %mul3A_42 = arith.constant 5.000000e-01 : f32
    %mul3A_43 = vector.broadcast %mul3A_42 : f32 to vector<1000x128xf32>
    %mul3A_44 = arith.mulf %mul3A_43, %add3A_41 : vector<1000x128xf32>
    %mul3A_45 = arith.mulf %add3A_30, %mul3A_44 : vector<1000x128xf32>
    %get3A_46 = arith.constant 0 : index
    %get3A_47 = arith.constant 0 : index
    %get3A_48 = vector.load %arg6[%get3A_46, %get3A_47] : memref<128x128xf32, #tpu.memory_space<vmem>>, vector<128x128xf32>
    %dot_general3A_49 = arith.constant dense<0.000000e+00> : vector<1000x128xf32>
    %dot_general3A_50 = tpu.matmul %mul3A_45, %get3A_48, %dot_general3A_49 {dimension_numbers = #tpu.dot_dimension_numbers<[1], [0], [0], [1], [0, 0, 1, 1], [], []>, transpose_lhs_hint = false} : vector<1000x128xf32>, vector<128x128xf32>, vector<1000x128xf32> -> vector<1000x128xf32>
    %get3A_51 = arith.constant 0 : index
    %get3A_52 = vector.load %arg7[%get3A_51] : memref<128xf32, #tpu.memory_space<vmem>>, vector<128xf32>
    %broadcast_in_dim3A_53 = vector.shape_cast %get3A_52 : vector<128xf32> to vector<1x128xf32>
    %add3A_54 = vector.broadcast %broadcast_in_dim3A_53 : vector<1x128xf32> to vector<1000x128xf32>
    %add3A_55 = arith.addf %dot_general3A_50, %add3A_54 : vector<1000x128xf32>
    %get3A_56 = arith.constant 0 : index
    %get3A_57 = arith.constant 0 : index
    %get3A_58 = vector.load %arg1[%get3A_56, %get3A_57] : memref<1000x128xf32, #tpu.memory_space<vmem>>, vector<1000x128xf32>
    %add3A_59 = arith.addf %get3A_58, %add3A_55 : vector<1000x128xf32>
    %get3A_60 = arith.constant 0 : index
    %get3A_61 = vector.load %arg8[%get3A_60] : memref<128xf32, #tpu.memory_space<vmem>>, vector<128xf32>
    %get3A_62 = arith.constant 0 : index
    %get3A_63 = vector.load %arg9[%get3A_62] : memref<128xf32, #tpu.memory_space<vmem>>, vector<128xf32>
    %reduce_sum3A = arith.constant dense<0.000000e+00> : vector<1000xf32>
    %reduce_sum3A_64 = vector.multi_reduction <add>, %add3A_59, %reduce_sum3A [1] : vector<1000x128xf32> to vector<1000xf32>
    %broadcast_in_dim3A_65 = vector.shape_cast %reduce_sum3A_64 : vector<1000xf32> to vector<1000x1xf32>
    %div3A = arith.constant 1.280000e+02 : f32
    %div3A_66 = vector.broadcast %div3A : f32 to vector<1000x1xf32>
    %div3A_67 = arith.divf %broadcast_in_dim3A_65, %div3A_66 : vector<1000x1xf32>
    %sub3A = vector.broadcast %div3A_67 : vector<1000x1xf32> to vector<1000x128xf32>
    %sub3A_68 = arith.subf %add3A_59, %sub3A : vector<1000x128xf32>
    %integer_pow3A_69 = arith.mulf %sub3A_68, %sub3A_68 : vector<1000x128xf32>
    %reduce_sum3A_70 = arith.constant dense<0.000000e+00> : vector<1000xf32>
    %reduce_sum3A_71 = vector.multi_reduction <add>, %integer_pow3A_69, %reduce_sum3A_70 [1] : vector<1000x128xf32> to vector<1000xf32>
    %broadcast_in_dim3A_72 = vector.shape_cast %reduce_sum3A_71 : vector<1000xf32> to vector<1000x1xf32>
    %div3A_73 = arith.constant 1.280000e+02 : f32
    %div3A_74 = vector.broadcast %div3A_73 : f32 to vector<1000x1xf32>
    %div3A_75 = arith.divf %broadcast_in_dim3A_72, %div3A_74 : vector<1000x1xf32>
    %sub3A_76 = vector.broadcast %div3A_67 : vector<1000x1xf32> to vector<1000x128xf32>
    %sub3A_77 = arith.subf %add3A_59, %sub3A_76 : vector<1000x128xf32>
    %add3A_78 = arith.constant 9.99999974E-6 : f32
    %add3A_79 = vector.broadcast %add3A_78 : f32 to vector<1000x1xf32>
    %add3A_80 = arith.addf %div3A_75, %add3A_79 : vector<1000x1xf32>
    %rsqrt3A_81 = math.rsqrt %add3A_80 : vector<1000x1xf32>
    %mul3A_82 = vector.broadcast %rsqrt3A_81 : vector<1000x1xf32> to vector<1000x128xf32>
    %mul3A_83 = arith.mulf %sub3A_77, %mul3A_82 : vector<1000x128xf32>
    %broadcast_in_dim3A_84 = vector.shape_cast %get3A_61 : vector<128xf32> to vector<1x128xf32>
    %mul3A_85 = vector.broadcast %broadcast_in_dim3A_84 : vector<1x128xf32> to vector<1000x128xf32>
    %mul3A_86 = arith.mulf %mul3A_83, %mul3A_85 : vector<1000x128xf32>
    %broadcast_in_dim3A_87 = vector.shape_cast %get3A_63 : vector<128xf32> to vector<1x128xf32>
    %add3A_88 = vector.broadcast %broadcast_in_dim3A_87 : vector<1x128xf32> to vector<1000x128xf32>
    %add3A_89 = arith.addf %mul3A_86, %add3A_88 : vector<1000x128xf32>
    %get3A_90 = arith.constant 0 : index
    %get3A_91 = arith.constant 0 : index
    %get3A_92 = vector.load %arg10[%get3A_90, %get3A_91] : memref<128x128xf32, #tpu.memory_space<vmem>>, vector<128x128xf32>
    %dot_general3A_93 = arith.constant dense<0.000000e+00> : vector<1000x128xf32>
    %dot_general3A_94 = tpu.matmul %add3A_89, %get3A_92, %dot_general3A_93 {dimension_numbers = #tpu.dot_dimension_numbers<[1], [0], [0], [1], [0, 0, 1, 1], [], []>, transpose_lhs_hint = false} : vector<1000x128xf32>, vector<128x128xf32>, vector<1000x128xf32> -> vector<1000x128xf32>
    %get3A_95 = arith.constant 0 : index
    %get3A_96 = vector.load %arg11[%get3A_95] : memref<128xf32, #tpu.memory_space<vmem>>, vector<128xf32>
    %broadcast_in_dim3A_97 = vector.shape_cast %get3A_96 : vector<128xf32> to vector<1x128xf32>
    %add3A_98 = vector.broadcast %broadcast_in_dim3A_97 : vector<1x128xf32> to vector<1000x128xf32>
    %add3A_99 = arith.addf %dot_general3A_94, %add3A_98 : vector<1000x128xf32>
    %logistic3A = arith.negf %add3A_99 : vector<1000x128xf32>
    %logistic3A_100 = math.exp %logistic3A : vector<1000x128xf32>
    %logistic3A_101 = arith.constant 1.000000e+00 : f32
    %logistic3A_102 = vector.broadcast %logistic3A_101 : f32 to vector<1000x128xf32>
    %logistic3A_103 = arith.addf %logistic3A_102, %logistic3A_100 : vector<1000x128xf32>
    %logistic3A_104 = arith.divf %logistic3A_102, %logistic3A_103 : vector<1000x128xf32>
    %swap3A = arith.constant 0 : index
    %swap3A_105 = arith.constant 0 : index
    %swap3A_106 = vector.load %arg12[%swap3A, %swap3A_105] : memref<1000x128xf32, #tpu.memory_space<vmem>>, vector<1000x128xf32>
    tpu.vector_store %arg12[%swap3A, %swap3A_105], %logistic3A_104 {strides = array<i32>} : memref<1000x128xf32, #tpu.memory_space<vmem>>, vector<1000x128xf32>,
    return
  }
  func.func @transform_0(%arg0: i32) -> (i32, i32) {
    %c0_i32 = arith.constant 0 : i32
    %c0_i32_0 = arith.constant 0 : i32
    return %arg0, %c0_i32 : i32, i32
  }
  func.func @transform_1(%arg0: i32) -> (i32, i32, i32) {
    %c0_i32 = arith.constant 0 : i32
    %c0_i32_0 = arith.constant 0 : i32
    %c0_i32_1 = arith.constant 0 : i32
    return %c0_i32, %arg0, %c0_i32_0 : i32, i32, i32
  }
  func.func @transform_2(%arg0: i32) -> (i32, i32, i32) {
    %c0_i32 = arith.constant 0 : i32
    %c0_i32_0 = arith.constant 0 : i32
    %c0_i32_1 = arith.constant 0 : i32
    return %c0_i32, %arg0, %c0_i32_0 : i32, i32, i32
  }
  func.func @transform_3(%arg0: i32) -> (i32, i32) {
    %c0_i32 = arith.constant 0 : i32
    %c0_i32_0 = arith.constant 0 : i32
    %c0_i32_1 = arith.constant 0 : i32
    return %c0_i32, %c0_i32_0 : i32, i32
  }
  func.func @transform_4(%arg0: i32) -> i32 {
    %c0_i32 = arith.constant 0 : i32
    %c0_i32_0 = arith.constant 0 : i32
    return %c0_i32 : i32
  }
  func.func @transform_5(%arg0: i32) -> (i32, i32) {
    %c0_i32 = arith.constant 0 : i32
    %c0_i32_0 = arith.constant 0 : i32
    %c0_i32_1 = arith.constant 0 : i32
    return %c0_i32, %c0_i32_0 : i32, i32
  }
  func.func @transform_6(%arg0: i32) -> i32 {
    %c0_i32 = arith.constant 0 : i32
    %c0_i32_0 = arith.constant 0 : i32
    return %c0_i32 : i32
  }
  func.func @transform_7(%arg0: i32) -> i32 {
    %c0_i32 = arith.constant 0 : i32
    %c0_i32_0 = arith.constant 0 : i32
    return %c0_i32 : i32
  }
  func.func @transform_8(%arg0: i32) -> i32 {
    %c0_i32 = arith.constant 0 : i32
    %c0_i32_0 = arith.constant 0 : i32
    return %c0_i32 : i32
  }
  func.func @transform_9(%arg0: i32) -> (i32, i32) {
    %c0_i32 = arith.constant 0 : i32
    %c0_i32_0 = arith.constant 0 : i32
    %c0_i32_1 = arith.constant 0 : i32
    return %c0_i32, %c0_i32_0 : i32, i32
  }
  func.func @transform_10(%arg0: i32) -> i32 {
    %c0_i32 = arith.constant 0 : i32
    %c0_i32_0 = arith.constant 0 : i32
    return %c0_i32 : i32
  }
  func.func @transform_11(%arg0: i32) -> (i32, i32) {
    %c0_i32 = arith.constant 0 : i32
    %c0_i32_0 = arith.constant 0 : i32
    return %arg0, %c0_i32 : i32, i32
  }
}

</mosaic_0001>

<sc_bundles>
// kernel: kernel.11.cloned.1.call-start
scs
__scs_entry_jumppad:
0x0: {  	(pc) =	sbr.rel $0x88, $3  }
0x1: {  	(tag) =	ssettag $0x0;
	lr =	simm.s32 $0x1  }
0x2: {  	[smem:$0x3F93] =	sst lr;
	_ =	strace $0xD0000000  }
0x3: {  	_ = 	snop  }
0x4: {  	_ = 	snop  }
0x5: {  	_ = 	snop  }
0x6: {  	_ = 	snop  }
0x7: {  	_ = 	snop  }
__scs_overlays_trampoline_lowered:
0x8: {  	[smem:$0x3FA2] =	sst s0  }
0x9: {  	[smem:$0x3FA3] =	sst s1  }
0xa: {  	[smem:$0x3FA4] =	sst s2  }
0xb: {  	[smem:$0x3FA5] =	sst s3  }
0xc: {  	[smem:$0x3FA6] =	sst s4  }
0xd: {  	[smem:$0x3FA7] =	sst s5  }
0xe: {  	[smem:$0x3FA8] =	sst s6  }
0xf: {  	[smem:$0x3FA9] =	sst s7  }
0x10: {  	[smem:$0x3FAA] =	sst s8  }
0x11: {  	[smem:$0x3FAB] =	sst s9;
	s0 =	simm.s32 @!p0 $0x0  }
0x12: {  	s1 =	sld [smem:$0x3F91];
	s0 =	simm.s32 @p0 $0x1  }
0x13: {  	[smem:$0x3FAC] =	sst s0;
	s0 =	simm.s32 @!p1 $0x0  }
0x14: {  	s2 =	sld [smem:$0x3F90];
	s0 =	simm.s32 @p1 $0x1  }
0x15: {  	[smem:$0x3FAD] =	sst s0;
	s0 =	simm.s32 @!p2 $0x0  }
0x16: {  	s3 =	sld [smem:$0x3FDB];
	s0 =	simm.s32 @p2 $0x1  }
0x17: {  	s4 =	simm.s32 $0x1BF5;
	[smem:$0x3FAF] =	sst s0  }
0x18: {  	s0 =	sld [smem:$0x3F92];
	_ =	swait.ge [sflag:s4], $0x0  }
0x19: {  	s7 =	sld [smem:$0x3F93]  }
0x1a: {  	s8 =	sadd.s32 $0xFFFFE003, lr  }
0x1b: {  	s9 =	sadd.s32 $0xFFFFFEF7, lr;
	s5 =	simm.s32 $0xFFFFFFFF;
	p2 =	slt.u32 s8, $0xFFFFF086  }
0x1c: {  	p1 =	slt.u32 s9, $0xF7A;
	s5 =	simm.s32 @!p2 $0x0  }
0x1d: {  	s5 =	simm.s32 @p1 $0x1;
	p0 =	seq.s32 s7, s2  }
0x1e: {  	s7 =	smul.u32 @!p0 $0xF7A, s2;
	p2 =	seq.s32 @!p0 s5, $0x0  }
0x1f: {  	s9 =	smul.u32 $0xF7A, s1;
	s8 =	simm.s32 @!p0 $0x1BF5;
	p2 =	por !p2, p0  }
0x20: {  	[sflag:s8] =	ssyncset.s32 @!p0 $0xFFFFF086;
	s6 =	sadd.s32 @!p0 s3, s7;
	s7 =	simm.s32 @!p0 $0x108  }
0x21: {  	s3 =	sadd.s32 s3, s9;
	s6 =	sadd.s32 @!p0 $0x88, s6;
	s7 =	simm.s32 @p2 $0x1082  }
0x22: {  	[simem:s7], [sflag:s8] =	dma.local @!p0 [hbm:s6], $0xF7A  }
0x23: {  	s9 =	sor.u32 $0xD0000000, s2;
	s6 =	simm.s32 $0x108;
	_ =	swait.ge @!p0 [sflag:s8], $0x0  }
0x24: {  	s3 =	sadd.s32 $0x88, s3;
	s6 =	simm.s32 @!p1 $0x1082;
	[sflag:s4] =	ssyncset.s32 $0xFFFFF086  }
0x25: {  	[simem:s6], [sflag:s4] =	dma.local [hbm:s3], $0xF7A  }
0x26: {  	[smem:$0x3F93] =	sst s1;
	(tag) =	ssettag s2;
	_ =	strace s9  }
0x27: {  	s1 =	sld [smem:$0x3FA3]  }
0x28: {  	s2 =	sld [smem:$0x3FA4]  }
0x29: {  	s4 =	sld [smem:$0x3FA6]  }
0x2a: {  	p0 =	seq.s32 s5, $0x0;
	s5 =	sld [smem:$0x3FA7]  }
0x2b: {  	s6 =	sld [smem:$0x3FA8]  }
0x2c: {  	s7 =	sld [smem:$0x3FA9]  }
0x2d: {  	s3 =	simm.s32 $0x108;
	s8 =	sld [smem:$0x3FAA]  }
0x2e: {  	s3 =	simm.s32 @!p0 $0x1082;
	s9 =	sld [smem:$0x3FAB]  }
0x2f: {  	lr =	sadd.s32 s0, s3;
	s0 =	sld [smem:$0x3FA2]  }
0x30: {  	s3 =	sld [smem:$0x3FA5]  }
0x31: {  	[smem:$0x3FAE] =	sst s10  }
0x32: {  	s10 =	sld [smem:$0x3FAC];
	_ =	sdelay $0x3  }
0x33: {  	p0 =	seq.s32 s10, $0x1;
	s10 =	sld [smem:$0x3FAE];
	_ =	sdelay $0x3  }
0x34: {  	[smem:$0x3FAE] =	sst s10  }
0x35: {  	s10 =	sld [smem:$0x3FAD];
	_ =	sdelay $0x3  }
0x36: {  	p1 =	seq.s32 s10, $0x1;
	s10 =	sld [smem:$0x3FAE];
	_ =	sdelay $0x3  }
0x37: {  	[smem:$0x3FAE] =	sst s10  }
0x38: {  	s10 =	sld [smem:$0x3FAF]  }
0x39: {  	_ = 	snop;
	(pc) =	sbr.ind lr, $3  }
0x3a: {  	_ = 	snop  }
0x3b: {  	_ = 	snop  }
0x3c: {  	p2 =	seq.s32 s10, $0x1;
	s10 =	sld [smem:$0x3FAE]  }
0x3d: {  	_ =	shalt  }
0x3e: {  	_ =	shalt  }
0x3f: {  	_ =	shalt  }
0x40: {  	_ =	shalt  }
0x41: {  	_ =	shalt  }
0x42: {  	_ =	shalt  }
0x43: {  	_ =	shalt  }
0x44: {  	_ =	shalt  }
0x45: {  	_ =	shalt  }
0x46: {  	_ =	shalt  }
0x47: {  	_ =	shalt  }
0x48: {  	_ =	shalt  }
0x49: {  	_ =	shalt  }
0x4a: {  	_ =	shalt  }
0x4b: {  	_ =	shalt  }
0x4c: {  	_ =	shalt  }
0x4d: {  	_ =	shalt  }
0x4e: {  	_ =	shalt  }
0x4f: {  	_ =	shalt  }
0x50: {  	_ =	shalt  }
0x51: {  	_ =	shalt  }
0x52: {  	_ =	shalt  }
0x53: {  	_ =	shalt  }
0x54: {  	_ =	shalt  }
0x55: {  	_ =	shalt  }
0x56: {  	_ =	shalt  }
0x57: {  	_ =	shalt  }
0x58: {  	_ =	shalt  }
0x59: {  	_ =	shalt  }
0x5a: {  	_ =	shalt  }
0x5b: {  	_ =	shalt  }
0x5c: {  	_ =	shalt  }
0x5d: {  	_ =	shalt  }
0x5e: {  	_ =	shalt  }
0x5f: {  	_ =	shalt  }
0x60: {  	_ =	shalt  }
0x61: {  	_ =	shalt  }
0x62: {  	_ =	shalt  }
0x63: {  	_ =	shalt  }
0x64: {  	_ =	shalt  }
0x65: {  	_ =	shalt  }
0x66: {  	_ =	shalt  }
0x67: {  	_ =	shalt  }
0x68: {  	_ =	shalt  }
0x69: {  	_ =	shalt  }
0x6a: {  	_ =	shalt  }
0x6b: {  	_ =	shalt  }
0x6c: {  	_ =	shalt  }
0x6d: {  	_ =	shalt  }
0x6e: {  	_ =	shalt  }
0x6f: {  	_ =	shalt  }
0x70: {  	_ =	shalt  }
0x71: {  	_ =	shalt  }
0x72: {  	_ =	shalt  }
0x73: {  	_ =	shalt  }
0x74: {  	_ =	shalt  }
0x75: {  	_ =	shalt  }
0x76: {  	_ =	shalt  }
0x77: {  	_ =	shalt  }
0x78: {  	_ =	shalt  }
0x79: {  	_ =	shalt  }
0x7a: {  	_ =	shalt  }
0x7b: {  	_ =	shalt  }
0x7c: {  	_ =	shalt  }
0x7d: {  	_ =	shalt  }
0x7e: {  	_ =	shalt  }
0x7f: {  	_ =	shalt  }
0x80: {  	_ =	shalt  }
0x81: {  	_ =	shalt  }
0x82: {  	_ =	shalt  }
0x83: {  	_ =	shalt  }
0x84: {  	_ =	shalt  }
0x85: {  	_ =	shalt  }
0x86: {  	_ =	shalt  }
0x87: {  	_ =	shalt  }
.Lfunc_end0:
.L_simem_size_0:
called_computation.1_lowered:
.L_overlay_start_0:
0x88: {  	s2 =	sld [smem:$0x3FD9]  }
0x89: {  	s3 =	sld [smem:$0x3FFE];
	_ =	sdelay $0x1  }
0x8a: {  	s1 =	srdreg.scid  }
0x8b: {  	s0 =	sand.u32 $0x1, s1  }
0x8c: {  	s17 =	sshll.u32 s0, $0xA;
	s2 =	sadd.s32 s3, s2  }
0x8d: {  	s2 =	sadd.s32 s2, s17  }
0x8e: {  	[smem:$0x3FBA] =	sst s2  }
0x8f: {  	_ = 	snop  }
0x90: {  	s2 =	sld [smem:$0x3FD0];
	(tm) =	ssettm $0x1  }
0x91: {  	s18 =	sld [smem:$0x3FFB];
	_ =	sdelay $0x3  }
0x92: {  	_ =	strace s18  }
0x93: {  	s3 =	sld [smem:$0x3FFC];
	_ =	sdelay $0x3  }
0x94: {  	_ =	strace s3  }
0x95: {  	s3 =	sld [smem:$0x3FFD];
	_ =	sdelay $0x3  }
0x96: {  	_ =	strace s3  }
0x97: {  	_ =	strace $0x8FFFFFFF  }
0x98: {  	s19 =	sld [smem:$0x3FDB];
	_ =	sdelay $0x1  }
0x99: {  	s4 =	simm.s32 $_scs_section_size  }
0x9a: {  	s5 =	simm.s32 $_size__tile_overlayer_lowered;
	s6 =	simm.s32 $_tile_overlayer_lowered  }
0x9b: {  	s22 =	simm.s32 $0x1BFF;
	s21 =	sshll.u32 s6, $0x1;
	s3 =	sadd.s32 s4, s19  }
0x9c: {  	s7 =	simm.s32 $0x0;
	s20 =	sshll.u32 s5, $0x1;
	s5 =	sadd.s32 s21, s3  }
0x9d: {  	[timem:s7], [sflag:s22] =	dma.local [hbm:s5], s20  }
0x9e: {  	_ =	swait.ge [sflag:s22], s20  }
0x9f: {  	s4 =	ssub.s32 $0x0, s20;
	[sflag:s22] =	ssyncset.done $0x0  }
0xa0: {  	[sflag:s22] =	ssyncadd.s32 s4;
	_ =	sdelay $0x1  }
0xa1: {  	s23 =	simm.s32 $0x1B8B  }
0xa2: {  	_ =	swait.ge [sflag:s23], $0x1  }
0xa3: {  	[sflag:s23] =	ssyncset.done $0x0  }
0xa4: {  	s25 =	simm.s32 $0x1B8E;
	s24 =	sld [smem:$0x3FFE];
	[sflag:s23] =	ssyncadd.s32 $0xFFFFFFFF  }
0xa5: {  	s26 =	simm.s32 $execute0_lowered;
	[smem:$0x3FD2] =	sst s25  }
0xa6: {  	s5 =	sshll.u32 s26, $0x1;
	_ =	strace $0x80000049;
	[dreg:$0x1] =	wrdreg $0xFFFFFFFF  }
0xa7: {  	s28 =	simm.s32 $_size_execute0_lowered;
	s3 =	sadd.s32 s3, s5;
	[dreg:$0x0] =	wrdreg $0x0  }
0xa8: {  	s5 =	sshll.u32 s28, $0x1;
	[dreg:$0x2] =	wrdreg s3  }
0xa9: {  	[dreg:$0x3] =	wrdreg s5  }
0xaa: {  	[dreg:$0x4] =	wrdreg $0xC0  }
0xab: {  	_ =	task [dreg:s7], $0x5FFFF  }
0xac: {  	[dreg:$0x1] =	wrdreg $0xFFFFFFFF  }
0xad: {  	[dreg:$0x0] =	wrdreg $0x60  }
0xae: {  	[dreg:$0x2] =	wrdreg s2  }
0xaf: {  	[dreg:$0x3] =	wrdreg s24  }
0xb0: {  	[dreg:$0x4] =	wrdreg $0x81000  }
0xb1: {  	[dreg:$0x5] =	wrdreg $0x9  }
0xb2: {  	_ =	task.clear_ibuf [dreg:s7], $0x6FFFF;
	_ =	strace $0x90000049  }
0xb3: {  	s29 =	simm.s32 $0x9;
	_ =	strace $0x8000004B  }
0xb4: {  	_ =	swait.ge [sflag:s29], $0x1  }
0xb5: {  	[sflag:s29] =	ssyncadd.s32 $0xFFFFFFFF  }
0xb6: {  	_ =	strace $0x9000004B  }
0xb7: {  	_ =	sfence  }
0xb8: {  	s30 =	sld [smem:$0x0];
	_ =	sdelay $0x2  }
0xb9: {  	s31 =	sshll.u32 s1, $0xD;
	s1 =	sshrl.u32 s1, $0x2  }
0xba: {  	s3 =	sand.u32 $0x4000, s31;
	s1 =	sadd.s32 s1, s30  }
0xbb: {  	s0 =	sor.u32 s3, s0;
	s1 =	sshll.u32 s1, $0x11  }
0xbc: {  	s0 =	sor.u32 s1, s0  }
0xbd: {  	s0 =	sadd.s32 $0x8F2B, s0  }
0xbe: {  	[sflag:s0] =	ssyncadd.remote.s32 $0x1  }
0xbf: {  	_ =	sfence.sel $0xFFFF  }
0xc0: {  	[dreg:$0x0] =	wrdreg $0xFFFFFFFF;
	(pc) =	sbr.abs _section_cstart, $3  }
0xc1: {  	[dreg:$0x1] =	wrdreg $0xFFFFFFFF  }
0xc2: {  	_ =	task.clear_ibuf [dreg:s7], $0x2FFFF;
	_ =	strace $0x9FFFFFFF  }
0xc3: {  	(tm) =	ssettm $0x7FFFFFFF  }
tec
execute0_lowered:
.L_overlay_start_1:
0x0: {  	(tag) =	ssettag $0x1  }
0x1: {  	s0 =	rddreg [dreg:$0x0]  }
0x2: {  	s5 =	rddreg [dreg:$0x1];
	s1 =	srdreg.scid  }
0x3: {  	s3 =	rddreg [dreg:$0x2];
	s2 =	stileid.u32;
	s4 =	simm.s32 $0x0  }
0x4: {  	s14 =	simm.s32 $0x4100;
	s15 =	simm.s32 $0x2;
	s16 =	simm.s32 $0x80  }
0x5: {  	s17 =	simm.s32 $0x100;
	s18 =	simm.s32 $0x1;
	s8 =	smul.u32 $0x14000, s2  }
0x6: {  	s6 =	sand.u32 $0x1, s1;
	s1 =	rddreg [dreg:$0x3];
	s9 =	smul.u32 $0x9E0, s2  }
0x7: {  	s21 =	simm.s32 $0x0;
	[smem:$0x7FF] =	sst s4;
	s28 =	smul.u32 $0x50000, s2  }
0x8: {  	s19 =	sshll.u32 s2, $0x6;
	s7 =	smul.u32 $0x140000, s6;
	_ =	strace $0x8000004A  }
0x9: {  	s29 =	ssub.s32 $0x2, s6;
	s13 =	smul.u32 $0x4F0, s6;
	s19 =	sor.u32 $0x1C02, s19  }
0xa: {  	s11 =	sadd.s32 s9, s5;
	s30 =	sshrl.u32 s29, $0x1;
	s31 =	sshrl.u32 s28, $0x2  }
0xb: {  	s7 =	sadd.s32 s8, s7;
	s12 =	ssub.s32 s29, s30;
	s13 =	sadd.s32 s13, s11  }
0xc: {  	s7 =	sshrl.u32 s7, $0x3;
	s11 =	smax.u32 s12, $0x1;
	s12 =	sadd.s32 $0x3600, s13  }
0xd: {  	s13 =	sadd.s32 $0xD400, s13;
	s10 =	sadd.s32 s7, s5;
	s5 =	sadd.s32 s31, s3  }
0xe: {  	s6 =	sadd.s32 $0x4000, s5;
	s7 =	sadd.s32 $0x8000, s5;
	s8 =	sadd.s32 $0xC000, s5  }
0xf: {  	v0 =	vimm.f32 $0.0e+00;
	s9 =	sadd.s32 $0x10000, s5;
	s10 =	sadd.s32 $0x67200, s10;
	s20 =	sshrl.u32 s5, $0x3  }
.LBB2_1:
0x10: {  	s22 =	simm.s32 $0x0;
	s23 =	simm.s32 $0x200  }
.LBB2_2:
0x11: {  	p0 =	sne.s32 s23, $0xFE00;
	[tilespmem:s22+$0x4170] =	vst v0  }
0x12: {  	[tilespmem:s22+$0x4100] =	vst v0  }
0x13: {  	[tilespmem:s22+$0x4110] =	vst v0  }
.Ltmp0:
0x14: {  	[tilespmem:s22+$0x4120] =	vst v0;
	(pc) =	sbr.rel @p0 .LBB2_2-.Ltmp0, $4  }
0x15: {  	[tilespmem:s22+$0x4130] =	vst v0  }
0x16: {  	[tilespmem:s22+$0x4140] =	vst v0  }
0x17: {  	[tilespmem:s22+$0x4150] =	vst v0  }
0x18: {  	[tilespmem:s22+$0x4160] =	vst v0;
	s22 =	sshra.s32 s23, $0x2;
	s23 =	sadd.s32 $0x200, s23  }
0x19: {  	[tilespmem:s22+$0x4170] =	vst v0  }
0x1a: {  	[tilespmem:s22+$0x4100] =	vst v0  }
0x1b: {  	[tilespmem:s22+$0x4110] =	vst v0  }
0x1c: {  	[tilespmem:s22+$0x4120] =	vst v0  }
0x1d: {  	[tilespmem:s22+$0x4130] =	vst v0  }
0x1e: {  	[tilespmem:s22+$0x4140] =	vst v0  }
0x1f: {  	[tilespmem:s22+$0x4150] =	vst v0  }
0x20: {  	[tilespmem:s22+$0x4160] =	vst v0  }
0x21: {  	[spmem:s5] =	stream.linear.scatter [tilespmem:s14], [sflag:$0x2], $0x4000, $0x38;
	[tilespmem:$0x1C100] =	vst v63  }
0x22: {  	_ =	swait.ge [sflag:s15], $0x4000  }
0x23: {  	[sflag:s15] =	ssyncset.done $0x0  }
0x24: {  	[sflag:s15] =	ssyncadd.s32 $0xFFFFC000  }
0x25: {  	[spmem:s6] =	stream.linear.scatter [tilespmem:s14], [sflag:$0x2], $0x4000, $0x38;
	[tilespmem:$0x1C100] =	vst v63  }
0x26: {  	_ =	swait.ge [sflag:s15], $0x4000  }
0x27: {  	[sflag:s15] =	ssyncset.done $0x0  }
0x28: {  	[sflag:s15] =	ssyncadd.s32 $0xFFFFC000  }
0x29: {  	[spmem:s7] =	stream.linear.scatter [tilespmem:s14], [sflag:$0x2], $0x4000, $0x38;
	[tilespmem:$0x1C100] =	vst v63  }
0x2a: {  	_ =	swait.ge [sflag:s15], $0x4000  }
0x2b: {  	[sflag:s15] =	ssyncset.done $0x0  }
0x2c: {  	[sflag:s15] =	ssyncadd.s32 $0xFFFFC000  }
0x2d: {  	[spmem:s8] =	stream.linear.scatter [tilespmem:s14], [sflag:$0x2], $0x4000, $0x38;
	[tilespmem:$0x1C100] =	vst v63  }
0x2e: {  	_ =	swait.ge [sflag:s15], $0x4000  }
0x2f: {  	[sflag:s15] =	ssyncset.done $0x0  }
0x30: {  	[sflag:s15] =	ssyncadd.s32 $0xFFFFC000  }
0x31: {  	[spmem:s9] =	stream.linear.scatter [tilespmem:s14], [sflag:$0x2], $0x4000, $0x38;
	[tilespmem:$0x1C100] =	vst v63  }
0x32: {  	_ =	swait.ge [sflag:s15], $0x4000  }
0x33: {  	[sflag:s15] =	ssyncset.done $0x0  }
0x34: {  	[sflag:s15] =	ssyncadd.s32 $0xFFFFC000  }
0x35: {  	s30 =	sadd.s32 $0x0, s12;
	[bflag:$0x0] =	sbarrier.arrive $0xFFFF  }
0x36: {  	[tilespmem:s4], [sflag:$0x2] =	stream.linear.gather [hbm4b:s30+s4], $0x80, $0x38;
	[tilespmem:$0x1C100] =	vst v63  }
0x37: {  	_ =	swait.ge [sflag:s15], $0x80  }
0x38: {  	[sflag:s15] =	ssyncset.done $0x0  }
0x39: {  	s31 =	sadd.s32 $0x0, s13;
	[sflag:s15] =	ssyncadd.s32 $0xFFFFFF80  }
0x3a: {  	[tilespmem:s16], [sflag:$0x2] =	stream.linear.gather [hbm4b:s31+s4], $0x80, $0x38;
	[tilespmem:$0x1C100] =	vst v63  }
0x3b: {  	_ =	swait.ge [sflag:s15], $0x80  }
0x3c: {  	[sflag:s15] =	ssyncset.done $0x0  }
0x3d: {  	[sflag:s15] =	ssyncadd.s32 $0xFFFFFF80  }
0x3e: {  	[tilespmem:s17], [sflag:$0x1] =	stream.indirect.gather [hbm4b:s0+s16], $0x80, s4, s16, $0xb8;
	[tilespmem:$0x1C100] =	vst v63  }
0x3f: {  	_ =	swait.ge [sflag:s18], $0x4000  }
0x40: {  	[sflag:s18] =	ssyncset.done $0x0  }
0x41: {  	[sflag:s18] =	ssyncadd.s32 $0xFFFFC000  }
0x42: {  	[spmem:s3] =	stream.indirect.scatter.add.f32 [tilespmem:s17], [sflag:$0x2], $0x80, s16, s16, $0xb8;
	[tilespmem:$0x1C100] =	vst v63  }
0x43: {  	_ =	swait.ge [sflag:s15], $0x4000  }
0x44: {  	s22 =	simm.s32 $0x10;
	s23 =	simm.s32 $0x20;
	[sflag:s15] =	ssyncset.done $0x0  }
.LBB2_4:
0x45: {  	s24 =	sadd.s32 s22, s12  }
0x46: {  	[sflag:s15] =	ssyncadd.s32 $0xFFFFC000;
	s25 =	smov.u32 s23;
	s26 =	sadd.s32 $0x10, s23  }
0x47: {  	[tilespmem:s4], [sflag:$0x2] =	stream.linear.gather [hbm4b:s24+s4], $0x80, $0x38;
	[tilespmem:$0x1C100] =	vst v63  }
0x48: {  	p0 =	sne.s32 s23, $0x4E0;
	_ =	swait.ge [sflag:s15], $0x80  }
0x49: {  	[sflag:s15] =	ssyncset.done $0x0  }
0x4a: {  	s23 =	sadd.s32 s22, s13;
	s22 =	smov.u32 s25;
	[sflag:s15] =	ssyncadd.s32 $0xFFFFFF80  }
0x4b: {  	[tilespmem:s16], [sflag:$0x2] =	stream.linear.gather [hbm4b:s23+s4], $0x80, $0x38;
	[tilespmem:$0x1C100] =	vst v63  }
0x4c: {  	_ =	swait.ge [sflag:s15], $0x80  }
0x4d: {  	[sflag:s15] =	ssyncset.done $0x0  }
0x4e: {  	[sflag:s15] =	ssyncadd.s32 $0xFFFFFF80  }
0x4f: {  	[tilespmem:s17], [sflag:$0x1] =	stream.indirect.gather [hbm4b:s0+s16], $0x80, s4, s16, $0xb8;
	[tilespmem:$0x1C100] =	vst v63  }
0x50: {  	_ =	swait.ge [sflag:s18], $0x4000  }
.Ltmp1:
0x51: {  	[sflag:s18] =	ssyncset.done $0x0;
	(pc) =	sbr.rel @p0 .LBB2_4-.Ltmp1, $4  }
0x52: {  	[sflag:s18] =	ssyncadd.s32 $0xFFFFC000  }
0x53: {  	[spmem:s3] =	stream.indirect.scatter.add.f32 [tilespmem:s17], [sflag:$0x2], $0x80, s16, s16, $0xb8;
	[tilespmem:$0x1C100] =	vst v63  }
0x54: {  	_ =	swait.ge [sflag:s15], $0x4000  }
0x55: {  	s23 =	smov.u32 s26;
	[sflag:s15] =	ssyncset.done $0x0  }
0x56: {  	s23 =	sadd.s32 s22, s12;
	[sflag:s15] =	ssyncadd.s32 $0xFFFFC000  }
0x57: {  	[tilespmem:s4], [sflag:$0x2] =	stream.linear.gather [hbm4b:s23+s4], $0x80, $0x38;
	[tilespmem:$0x1C100] =	vst v63  }
0x58: {  	_ =	swait.ge [sflag:s15], $0x80  }
0x59: {  	[sflag:s15] =	ssyncset.done $0x0  }
0x5a: {  	s31 =	sadd.s32 s22, s13;
	[sflag:s15] =	ssyncadd.s32 $0xFFFFFF80  }
0x5b: {  	[tilespmem:s16], [sflag:$0x2] =	stream.linear.gather [hbm4b:s31+s4], $0x80, $0x38;
	[tilespmem:$0x1C100] =	vst v63  }
0x5c: {  	_ =	swait.ge [sflag:s15], $0x80  }
0x5d: {  	[sflag:s15] =	ssyncset.done $0x0  }
0x5e: {  	[sflag:s15] =	ssyncadd.s32 $0xFFFFFF80  }
0x5f: {  	[tilespmem:s17], [sflag:$0x1] =	stream.indirect.gather [hbm4b:s0+s16], $0x80, s4, s16, $0xb8;
	[tilespmem:$0x1C100] =	vst v63  }
0x60: {  	_ =	swait.ge [sflag:s18], $0x4000  }
0x61: {  	[sflag:s18] =	ssyncset.done $0x0  }
0x62: {  	[sflag:s18] =	ssyncadd.s32 $0xFFFFC000  }
0x63: {  	[spmem:s3] =	stream.indirect.scatter.add.f32 [tilespmem:s17], [sflag:$0x2], $0x80, s16, s16, $0xb8;
	[tilespmem:$0x1C100] =	vst v63  }
0x64: {  	_ =	swait.ge [sflag:s15], $0x4000  }
0x65: {  	s21 =	sadd.s32 $0x1, s21;
	[sflag:s15] =	ssyncset.done $0x0  }
0x66: {  	p0 =	sne.s32 s21, s11;
	[sflag:s15] =	ssyncadd.s32 $0xFFFFC000  }
.Ltmp2:
0x67: {  	[bflag:$0x0] =	sbarrier.arrive $0xFFFF;
	(pc) =	sbr.rel @p0 .LBB2_1-.Ltmp2, $4  }
0x68: {  	[hbm:s10], [sflag:s19] =	dma.local [spmem:s20], $0x2800  }
0x69: {  	_ =	swait.ge [sflag:s15], $0x2800  }
0x6a: {  	[sflag:s15] =	ssyncset.done $0x0  }
0x6b: {  	[sflag:s15] =	ssyncadd.s32 $0xFFFFD800  }
0x6c: {  	_ =	sfence.sel $0x180000  }
0x6d: {  	[bflag:$0x0] =	sbarrier.arrive $0xFFFF  }
0x6e: {  	p0 =	sne.s32 s2, $0x0;
	_ =	strace $0x9000004A  }
0x6f: {  	s0 =	sadd.s32 @!p0 $0x100000, s1;
	[bflag:$0x2] =	sbarrier.arrive $0xFFFF  }
0x70: {  	[sflag:s0] =	ssyncadd.tile.s32 @!p0 $0x1;
	_ =	shalt  }
.Lfunc_end2:
_tile_overlayer_lowered:
.L_overlay_start_2:
0x71: {  	(tag) =	ssettag $0x2  }
0x72: {  	s0 =	rddreg [dreg:$0x0];
	s2 =	stileid.u32  }
0x73: {  	s1 =	rddreg [dreg:$0x1];
	p0 =	sne.s32 s2, $0x0  }
0x74: {  	s3 =	rddreg [dreg:$0x2];
	[bflag:$0x3] =	sbarrier.arrive $0xFFFF;
	s2 =	simm.s32 @!p0 $0x1C02  }
0x75: {  	[timem:s3], [sflag:s2] =	dma.local @!p0 [hbm:s0], s1  }
0x76: {  	s0 =	simm.s32 @!p0 $0x2  }
0x77: {  	_ =	swait.ge @!p0 [sflag:s0], s1  }
0x78: {  	s1 =	ssub.s32 @!p0 $0x0, s1;
	[sflag:s0] =	ssyncset.done @!p0 $0x0  }
0x79: {  	[sflag:s0] =	ssyncadd.s32 @!p0 s1  }
0x7a: {  	[bflag:$0x3] =	sbarrier.arrive $0xFFFF  }
0x7b: {  	_ =	shalt  }

// kernel: kernel.14.cloned.1.call-start
scs
__scs_entry_jumppad:
0x0: {  	(pc) =	sbr.rel $0x88, $3  }
0x1: {  	(tag) =	ssettag $0x0;
	lr =	simm.s32 $0x1  }
0x2: {  	[smem:$0x3F93] =	sst lr;
	_ =	strace $0xD0000000  }
0x3: {  	_ = 	snop  }
0x4: {  	_ = 	snop  }
0x5: {  	_ = 	snop  }
0x6: {  	_ = 	snop  }
0x7: {  	_ = 	snop  }
__scs_overlays_trampoline_lowered:
0x8: {  	[smem:$0x3FA2] =	sst s0  }
0x9: {  	[smem:$0x3FA3] =	sst s1  }
0xa: {  	[smem:$0x3FA4] =	sst s2  }
0xb: {  	[smem:$0x3FA5] =	sst s3  }
0xc: {  	[smem:$0x3FA6] =	sst s4  }
0xd: {  	[smem:$0x3FA7] =	sst s5  }
0xe: {  	[smem:$0x3FA8] =	sst s6  }
0xf: {  	[smem:$0x3FA9] =	sst s7  }
0x10: {  	[smem:$0x3FAA] =	sst s8  }
0x11: {  	[smem:$0x3FAB] =	sst s9;
	s0 =	simm.s32 @!p0 $0x0  }
0x12: {  	s1 =	sld [smem:$0x3F91];
	s0 =	simm.s32 @p0 $0x1  }
0x13: {  	[smem:$0x3FAC] =	sst s0;
	s0 =	simm.s32 @!p1 $0x0  }
0x14: {  	s2 =	sld [smem:$0x3F90];
	s0 =	simm.s32 @p1 $0x1  }
0x15: {  	[smem:$0x3FAD] =	sst s0;
	s0 =	simm.s32 @!p2 $0x0  }
0x16: {  	s3 =	sld [smem:$0x3FDB];
	s0 =	simm.s32 @p2 $0x1  }
0x17: {  	s4 =	simm.s32 $0x1BF5;
	[smem:$0x3FAF] =	sst s0  }
0x18: {  	s0 =	sld [smem:$0x3F92];
	_ =	swait.ge [sflag:s4], $0x0  }
0x19: {  	s7 =	sld [smem:$0x3F93]  }
0x1a: {  	s8 =	sadd.s32 $0xFFFFE003, lr  }
0x1b: {  	s9 =	sadd.s32 $0xFFFFFEF7, lr;
	s5 =	simm.s32 $0xFFFFFFFF;
	p2 =	slt.u32 s8, $0xFFFFF086  }
0x1c: {  	p1 =	slt.u32 s9, $0xF7A;
	s5 =	simm.s32 @!p2 $0x0  }
0x1d: {  	s5 =	simm.s32 @p1 $0x1;
	p0 =	seq.s32 s7, s2  }
0x1e: {  	s7 =	smul.u32 @!p0 $0xF7A, s2;
	p2 =	seq.s32 @!p0 s5, $0x0  }
0x1f: {  	s9 =	smul.u32 $0xF7A, s1;
	s8 =	simm.s32 @!p0 $0x1BF5;
	p2 =	por !p2, p0  }
0x20: {  	[sflag:s8] =	ssyncset.s32 @!p0 $0xFFFFF086;
	s6 =	sadd.s32 @!p0 s3, s7;
	s7 =	simm.s32 @!p0 $0x108  }
0x21: {  	s3 =	sadd.s32 s3, s9;
	s6 =	sadd.s32 @!p0 $0x88, s6;
	s7 =	simm.s32 @p2 $0x1082  }
0x22: {  	[simem:s7], [sflag:s8] =	dma.local @!p0 [hbm:s6], $0xF7A  }
0x23: {  	s9 =	sor.u32 $0xD0000000, s2;
	s6 =	simm.s32 $0x108;
	_ =	swait.ge @!p0 [sflag:s8], $0x0  }
0x24: {  	s3 =	sadd.s32 $0x88, s3;
	s6 =	simm.s32 @!p1 $0x1082;
	[sflag:s4] =	ssyncset.s32 $0xFFFFF086  }
0x25: {  	[simem:s6], [sflag:s4] =	dma.local [hbm:s3], $0xF7A  }
0x26: {  	[smem:$0x3F93] =	sst s1;
	(tag) =	ssettag s2;
	_ =	strace s9  }
0x27: {  	s1 =	sld [smem:$0x3FA3]  }
0x28: {  	s2 =	sld [smem:$0x3FA4]  }
0x29: {  	s4 =	sld [smem:$0x3FA6]  }
0x2a: {  	p0 =	seq.s32 s5, $0x0;
	s5 =	sld [smem:$0x3FA7]  }
0x2b: {  	s6 =	sld [smem:$0x3FA8]  }
0x2c: {  	s7 =	sld [smem:$0x3FA9]  }
0x2d: {  	s3 =	simm.s32 $0x108;
	s8 =	sld [smem:$0x3FAA]  }
0x2e: {  	s3 =	simm.s32 @!p0 $0x1082;
	s9 =	sld [smem:$0x3FAB]  }
0x2f: {  	lr =	sadd.s32 s0, s3;
	s0 =	sld [smem:$0x3FA2]  }
0x30: {  	s3 =	sld [smem:$0x3FA5]  }
0x31: {  	[smem:$0x3FAE] =	sst s10  }
0x32: {  	s10 =	sld [smem:$0x3FAC];
	_ =	sdelay $0x3  }
0x33: {  	p0 =	seq.s32 s10, $0x1;
	s10 =	sld [smem:$0x3FAE];
	_ =	sdelay $0x3  }
0x34: {  	[smem:$0x3FAE] =	sst s10  }
0x35: {  	s10 =	sld [smem:$0x3FAD];
	_ =	sdelay $0x3  }
0x36: {  	p1 =	seq.s32 s10, $0x1;
	s10 =	sld [smem:$0x3FAE];
	_ =	sdelay $0x3  }
0x37: {  	[smem:$0x3FAE] =	sst s10  }
0x38: {  	s10 =	sld [smem:$0x3FAF]  }
0x39: {  	_ = 	snop;
	(pc) =	sbr.ind lr, $3  }
0x3a: {  	_ = 	snop  }
0x3b: {  	_ = 	snop  }
0x3c: {  	p2 =	seq.s32 s10, $0x1;
	s10 =	sld [smem:$0x3FAE]  }
0x3d: {  	_ =	shalt  }
0x3e: {  	_ =	shalt  }
0x3f: {  	_ =	shalt  }
0x40: {  	_ =	shalt  }
0x41: {  	_ =	shalt  }
0x42: {  	_ =	shalt  }
0x43: {  	_ =	shalt  }
0x44: {  	_ =	shalt  }
0x45: {  	_ =	shalt  }
0x46: {  	_ =	shalt  }
0x47: {  	_ =	shalt  }
0x48: {  	_ =	shalt  }
0x49: {  	_ =	shalt  }
0x4a: {  	_ =	shalt  }
0x4b: {  	_ =	shalt  }
0x4c: {  	_ =	shalt  }
0x4d: {  	_ =	shalt  }
0x4e: {  	_ =	shalt  }
0x4f: {  	_ =	shalt  }
0x50: {  	_ =	shalt  }
0x51: {  	_ =	shalt  }
0x52: {  	_ =	shalt  }
0x53: {  	_ =	shalt  }
0x54: {  	_ =	shalt  }
0x55: {  	_ =	shalt  }
0x56: {  	_ =	shalt  }
0x57: {  	_ =	shalt  }
0x58: {  	_ =	shalt  }
0x59: {  	_ =	shalt  }
0x5a: {  	_ =	shalt  }
0x5b: {  	_ =	shalt  }
0x5c: {  	_ =	shalt  }
0x5d: {  	_ =	shalt  }
0x5e: {  	_ =	shalt  }
0x5f: {  	_ =	shalt  }
0x60: {  	_ =	shalt  }
0x61: {  	_ =	shalt  }
0x62: {  	_ =	shalt  }
0x63: {  	_ =	shalt  }
0x64: {  	_ =	shalt  }
0x65: {  	_ =	shalt  }
0x66: {  	_ =	shalt  }
0x67: {  	_ =	shalt  }
0x68: {  	_ =	shalt  }
0x69: {  	_ =	shalt  }
0x6a: {  	_ =	shalt  }
0x6b: {  	_ =	shalt  }
0x6c: {  	_ =	shalt  }
0x6d: {  	_ =	shalt  }
0x6e: {  	_ =	shalt  }
0x6f: {  	_ =	shalt  }
0x70: {  	_ =	shalt  }
0x71: {  	_ =	shalt  }
0x72: {  	_ =	shalt  }
0x73: {  	_ =	shalt  }
0x74: {  	_ =	shalt  }
0x75: {  	_ =	shalt  }
0x76: {  	_ =	shalt  }
0x77: {  	_ =	shalt  }
0x78: {  	_ =	shalt  }
0x79: {  	_ =	shalt  }
0x7a: {  	_ =	shalt  }
0x7b: {  	_ =	shalt  }
0x7c: {  	_ =	shalt  }
0x7d: {  	_ =	shalt  }
0x7e: {  	_ =	shalt  }
0x7f: {  	_ =	shalt  }
0x80: {  	_ =	shalt  }
0x81: {  	_ =	shalt  }
0x82: {  	_ =	shalt  }
0x83: {  	_ =	shalt  }
0x84: {  	_ =	shalt  }
0x85: {  	_ =	shalt  }
0x86: {  	_ =	shalt  }
0x87: {  	_ =	shalt  }
.Lfunc_end0:
.L_simem_size_0:
called_computation.2_lowered:
.L_overlay_start_0:
0x88: {  	s2 =	sld [smem:$0x3FD9]  }
0x89: {  	s3 =	sld [smem:$0x3FFE];
	_ =	sdelay $0x1  }
0x8a: {  	s1 =	srdreg.scid  }
0x8b: {  	s0 =	sand.u32 $0x1, s1  }
0x8c: {  	s17 =	sshll.u32 s0, $0xA;
	s2 =	sadd.s32 s3, s2  }
0x8d: {  	s2 =	sadd.s32 s2, s17  }
0x8e: {  	[smem:$0x3FBA] =	sst s2  }
0x8f: {  	_ = 	snop  }
0x90: {  	s2 =	sld [smem:$0x3FD0];
	(tm) =	ssettm $0x1  }
0x91: {  	s18 =	sld [smem:$0x3FFB];
	_ =	sdelay $0x3  }
0x92: {  	_ =	strace s18  }
0x93: {  	s3 =	sld [smem:$0x3FFC];
	_ =	sdelay $0x3  }
0x94: {  	_ =	strace s3  }
0x95: {  	s3 =	sld [smem:$0x3FFD];
	_ =	sdelay $0x3  }
0x96: {  	_ =	strace s3  }
0x97: {  	_ =	strace $0x8FFFFFFF  }
0x98: {  	s19 =	sld [smem:$0x3FDB];
	_ =	sdelay $0x1  }
0x99: {  	s4 =	simm.s32 $_scs_section_size  }
0x9a: {  	s5 =	simm.s32 $_size__tile_overlayer_lowered;
	s6 =	simm.s32 $_tile_overlayer_lowered  }
0x9b: {  	s22 =	simm.s32 $0x1BFF;
	s21 =	sshll.u32 s6, $0x1;
	s3 =	sadd.s32 s4, s19  }
0x9c: {  	s7 =	simm.s32 $0x0;
	s20 =	sshll.u32 s5, $0x1;
	s5 =	sadd.s32 s21, s3  }
0x9d: {  	[timem:s7], [sflag:s22] =	dma.local [hbm:s5], s20  }
0x9e: {  	_ =	swait.ge [sflag:s22], s20  }
0x9f: {  	s4 =	ssub.s32 $0x0, s20;
	[sflag:s22] =	ssyncset.done $0x0  }
0xa0: {  	[sflag:s22] =	ssyncadd.s32 s4;
	_ =	sdelay $0x1  }
0xa1: {  	s23 =	simm.s32 $0x1B8B  }
0xa2: {  	_ =	swait.ge [sflag:s23], $0x1  }
0xa3: {  	[sflag:s23] =	ssyncset.done $0x0  }
0xa4: {  	s25 =	simm.s32 $0x1B8E;
	s24 =	sld [smem:$0x3FFE];
	[sflag:s23] =	ssyncadd.s32 $0xFFFFFFFF  }
0xa5: {  	s26 =	simm.s32 $execute0_lowered;
	[smem:$0x3FD2] =	sst s25  }
0xa6: {  	s5 =	sshll.u32 s26, $0x1;
	_ =	strace $0x8000004C;
	[dreg:$0x1] =	wrdreg $0xFFFFFFFF  }
0xa7: {  	s28 =	simm.s32 $_size_execute0_lowered;
	s3 =	sadd.s32 s3, s5;
	[dreg:$0x0] =	wrdreg $0x0  }
0xa8: {  	s5 =	sshll.u32 s28, $0x1;
	[dreg:$0x2] =	wrdreg s3  }
0xa9: {  	[dreg:$0x3] =	wrdreg s5  }
0xaa: {  	[dreg:$0x4] =	wrdreg $0xC0  }
0xab: {  	_ =	task [dreg:s7], $0x5FFFF  }
0xac: {  	[dreg:$0x1] =	wrdreg $0xFFFFFFFF  }
0xad: {  	[dreg:$0x0] =	wrdreg $0x60  }
0xae: {  	[dreg:$0x2] =	wrdreg s2  }
0xaf: {  	[dreg:$0x3] =	wrdreg s24  }
0xb0: {  	[dreg:$0x4] =	wrdreg $0x81000  }
0xb1: {  	[dreg:$0x5] =	wrdreg $0x9  }
0xb2: {  	_ =	task.clear_ibuf [dreg:s7], $0x6FFFF;
	_ =	strace $0x9000004C  }
0xb3: {  	s29 =	simm.s32 $0x9;
	_ =	strace $0x8000004E  }
0xb4: {  	_ =	swait.ge [sflag:s29], $0x1  }
0xb5: {  	[sflag:s29] =	ssyncadd.s32 $0xFFFFFFFF  }
0xb6: {  	_ =	strace $0x9000004E  }
0xb7: {  	_ =	sfence  }
0xb8: {  	s30 =	sld [smem:$0x0];
	_ =	sdelay $0x2  }
0xb9: {  	s31 =	sshll.u32 s1, $0xD;
	s1 =	sshrl.u32 s1, $0x2  }
0xba: {  	s3 =	sand.u32 $0x4000, s31;
	s1 =	sadd.s32 s1, s30  }
0xbb: {  	s0 =	sor.u32 s3, s0;
	s1 =	sshll.u32 s1, $0x11  }
0xbc: {  	s0 =	sor.u32 s1, s0  }
0xbd: {  	s0 =	sadd.s32 $0x8F2B, s0  }
0xbe: {  	[sflag:s0] =	ssyncadd.remote.s32 $0x1  }
0xbf: {  	_ =	sfence.sel $0xFFFF  }
0xc0: {  	[dreg:$0x0] =	wrdreg $0xFFFFFFFF;
	(pc) =	sbr.abs _section_cstart, $3  }
0xc1: {  	[dreg:$0x1] =	wrdreg $0xFFFFFFFF  }
0xc2: {  	_ =	task.clear_ibuf [dreg:s7], $0x2FFFF;
	_ =	strace $0x9FFFFFFF  }
0xc3: {  	(tm) =	ssettm $0x7FFFFFFF  }
tec
execute0_lowered:
.L_overlay_start_1:
0x0: {  	(tag) =	ssettag $0x1  }
0x1: {  	s0 =	rddreg [dreg:$0x0]  }
0x2: {  	s5 =	rddreg [dreg:$0x1];
	s1 =	srdreg.scid  }
0x3: {  	s3 =	rddreg [dreg:$0x2];
	s2 =	stileid.u32;
	s4 =	simm.s32 $0x0  }
0x4: {  	s14 =	simm.s32 $0x4100;
	s15 =	simm.s32 $0x2;
	s16 =	simm.s32 $0x80  }
0x5: {  	s17 =	simm.s32 $0x100;
	s18 =	simm.s32 $0x1;
	s8 =	smul.u32 $0x14000, s2  }
0x6: {  	s6 =	sand.u32 $0x1, s1;
	s1 =	rddreg [dreg:$0x3];
	s9 =	smul.u32 $0x9E0, s2  }
0x7: {  	s21 =	simm.s32 $0x0;
	[smem:$0x7FF] =	sst s4;
	s28 =	smul.u32 $0x50000, s2  }
0x8: {  	s19 =	sshll.u32 s2, $0x6;
	s7 =	smul.u32 $0x140000, s6;
	_ =	strace $0x8000004D  }
0x9: {  	s29 =	ssub.s32 $0x2, s6;
	s13 =	smul.u32 $0x4F0, s6;
	s19 =	sor.u32 $0x1C02, s19  }
0xa: {  	s11 =	sadd.s32 s9, s5;
	s30 =	sshrl.u32 s29, $0x1;
	s31 =	sshrl.u32 s28, $0x2  }
0xb: {  	s7 =	sadd.s32 s8, s7;
	s12 =	ssub.s32 s29, s30;
	s13 =	sadd.s32 s13, s11  }
0xc: {  	s7 =	sshrl.u32 s7, $0x3;
	s11 =	smax.u32 s12, $0x1;
	s12 =	sadd.s32 $0x3600, s13  }
0xd: {  	s13 =	sadd.s32 $0xD400, s13;
	s10 =	sadd.s32 s7, s5;
	s5 =	sadd.s32 s31, s3  }
0xe: {  	s6 =	sadd.s32 $0x4000, s5;
	s7 =	sadd.s32 $0x8000, s5;
	s8 =	sadd.s32 $0xC000, s5  }
0xf: {  	v0 =	vimm.f32 $0.0e+00;
	s9 =	sadd.s32 $0x10000, s5;
	s10 =	sadd.s32 $0x67200, s10;
	s20 =	sshrl.u32 s5, $0x3  }
.LBB2_1:
0x10: {  	s22 =	simm.s32 $0x0;
	s23 =	simm.s32 $0x200  }
.LBB2_2:
0x11: {  	p0 =	sne.s32 s23, $0xFE00;
	[tilespmem:s22+$0x4170] =	vst v0  }
0x12: {  	[tilespmem:s22+$0x4100] =	vst v0  }
0x13: {  	[tilespmem:s22+$0x4110] =	vst v0  }
.Ltmp0:
0x14: {  	[tilespmem:s22+$0x4120] =	vst v0;
	(pc) =	sbr.rel @p0 .LBB2_2-.Ltmp0, $4  }
0x15: {  	[tilespmem:s22+$0x4130] =	vst v0  }
0x16: {  	[tilespmem:s22+$0x4140] =	vst v0  }
0x17: {  	[tilespmem:s22+$0x4150] =	vst v0  }
0x18: {  	[tilespmem:s22+$0x4160] =	vst v0;
	s22 =	sshra.s32 s23, $0x2;
	s23 =	sadd.s32 $0x200, s23  }
0x19: {  	[tilespmem:s22+$0x4170] =	vst v0  }
0x1a: {  	[tilespmem:s22+$0x4100] =	vst v0  }
0x1b: {  	[tilespmem:s22+$0x4110] =	vst v0  }
0x1c: {  	[tilespmem:s22+$0x4120] =	vst v0  }
0x1d: {  	[tilespmem:s22+$0x4130] =	vst v0  }
0x1e: {  	[tilespmem:s22+$0x4140] =	vst v0  }
0x1f: {  	[tilespmem:s22+$0x4150] =	vst v0  }
0x20: {  	[tilespmem:s22+$0x4160] =	vst v0  }
0x21: {  	[spmem:s5] =	stream.linear.scatter [tilespmem:s14], [sflag:$0x2], $0x4000, $0x38;
	[tilespmem:$0x1C100] =	vst v63  }
0x22: {  	_ =	swait.ge [sflag:s15], $0x4000  }
0x23: {  	[sflag:s15] =	ssyncset.done $0x0  }
0x24: {  	[sflag:s15] =	ssyncadd.s32 $0xFFFFC000  }
0x25: {  	[spmem:s6] =	stream.linear.scatter [tilespmem:s14], [sflag:$0x2], $0x4000, $0x38;
	[tilespmem:$0x1C100] =	vst v63  }
0x26: {  	_ =	swait.ge [sflag:s15], $0x4000  }
0x27: {  	[sflag:s15] =	ssyncset.done $0x0  }
0x28: {  	[sflag:s15] =	ssyncadd.s32 $0xFFFFC000  }
0x29: {  	[spmem:s7] =	stream.linear.scatter [tilespmem:s14], [sflag:$0x2], $0x4000, $0x38;
	[tilespmem:$0x1C100] =	vst v63  }
0x2a: {  	_ =	swait.ge [sflag:s15], $0x4000  }
0x2b: {  	[sflag:s15] =	ssyncset.done $0x0  }
0x2c: {  	[sflag:s15] =	ssyncadd.s32 $0xFFFFC000  }
0x2d: {  	[spmem:s8] =	stream.linear.scatter [tilespmem:s14], [sflag:$0x2], $0x4000, $0x38;
	[tilespmem:$0x1C100] =	vst v63  }
0x2e: {  	_ =	swait.ge [sflag:s15], $0x4000  }
0x2f: {  	[sflag:s15] =	ssyncset.done $0x0  }
0x30: {  	[sflag:s15] =	ssyncadd.s32 $0xFFFFC000  }
0x31: {  	[spmem:s9] =	stream.linear.scatter [tilespmem:s14], [sflag:$0x2], $0x4000, $0x38;
	[tilespmem:$0x1C100] =	vst v63  }
0x32: {  	_ =	swait.ge [sflag:s15], $0x4000  }
0x33: {  	[sflag:s15] =	ssyncset.done $0x0  }
0x34: {  	[sflag:s15] =	ssyncadd.s32 $0xFFFFC000  }
0x35: {  	s30 =	sadd.s32 $0x0, s12;
	[bflag:$0x0] =	sbarrier.arrive $0xFFFF  }
0x36: {  	[tilespmem:s4], [sflag:$0x2] =	stream.linear.gather [hbm4b:s30+s4], $0x80, $0x38;
	[tilespmem:$0x1C100] =	vst v63  }
0x37: {  	_ =	swait.ge [sflag:s15], $0x80  }
0x38: {  	[sflag:s15] =	ssyncset.done $0x0  }
0x39: {  	s31 =	sadd.s32 $0x0, s13;
	[sflag:s15] =	ssyncadd.s32 $0xFFFFFF80  }
0x3a: {  	[tilespmem:s16], [sflag:$0x2] =	stream.linear.gather [hbm4b:s31+s4], $0x80, $0x38;
	[tilespmem:$0x1C100] =	vst v63  }
0x3b: {  	_ =	swait.ge [sflag:s15], $0x80  }
0x3c: {  	[sflag:s15] =	ssyncset.done $0x0  }
0x3d: {  	[sflag:s15] =	ssyncadd.s32 $0xFFFFFF80  }
0x3e: {  	[tilespmem:s17], [sflag:$0x1] =	stream.indirect.gather [hbm4b:s0+s16], $0x80, s4, s16, $0xb8;
	[tilespmem:$0x1C100] =	vst v63  }
0x3f: {  	_ =	swait.ge [sflag:s18], $0x4000  }
0x40: {  	[sflag:s18] =	ssyncset.done $0x0  }
0x41: {  	[sflag:s18] =	ssyncadd.s32 $0xFFFFC000  }
0x42: {  	[spmem:s3] =	stream.indirect.scatter.add.f32 [tilespmem:s17], [sflag:$0x2], $0x80, s16, s16, $0xb8;
	[tilespmem:$0x1C100] =	vst v63  }
0x43: {  	_ =	swait.ge [sflag:s15], $0x4000  }
0x44: {  	s22 =	simm.s32 $0x10;
	s23 =	simm.s32 $0x20;
	[sflag:s15] =	ssyncset.done $0x0  }
.LBB2_4:
0x45: {  	s24 =	sadd.s32 s22, s12  }
0x46: {  	[sflag:s15] =	ssyncadd.s32 $0xFFFFC000;
	s25 =	smov.u32 s23;
	s26 =	sadd.s32 $0x10, s23  }
0x47: {  	[tilespmem:s4], [sflag:$0x2] =	stream.linear.gather [hbm4b:s24+s4], $0x80, $0x38;
	[tilespmem:$0x1C100] =	vst v63  }
0x48: {  	p0 =	sne.s32 s23, $0x4E0;
	_ =	swait.ge [sflag:s15], $0x80  }
0x49: {  	[sflag:s15] =	ssyncset.done $0x0  }
0x4a: {  	s23 =	sadd.s32 s22, s13;
	s22 =	smov.u32 s25;
	[sflag:s15] =	ssyncadd.s32 $0xFFFFFF80  }
0x4b: {  	[tilespmem:s16], [sflag:$0x2] =	stream.linear.gather [hbm4b:s23+s4], $0x80, $0x38;
	[tilespmem:$0x1C100] =	vst v63  }
0x4c: {  	_ =	swait.ge [sflag:s15], $0x80  }
0x4d: {  	[sflag:s15] =	ssyncset.done $0x0  }
0x4e: {  	[sflag:s15] =	ssyncadd.s32 $0xFFFFFF80  }
0x4f: {  	[tilespmem:s17], [sflag:$0x1] =	stream.indirect.gather [hbm4b:s0+s16], $0x80, s4, s16, $0xb8;
	[tilespmem:$0x1C100] =	vst v63  }
0x50: {  	_ =	swait.ge [sflag:s18], $0x4000  }
.Ltmp1:
0x51: {  	[sflag:s18] =	ssyncset.done $0x0;
	(pc) =	sbr.rel @p0 .LBB2_4-.Ltmp1, $4  }
0x52: {  	[sflag:s18] =	ssyncadd.s32 $0xFFFFC000  }
0x53: {  	[spmem:s3] =	stream.indirect.scatter.add.f32 [tilespmem:s17], [sflag:$0x2], $0x80, s16, s16, $0xb8;
	[tilespmem:$0x1C100] =	vst v63  }
0x54: {  	_ =	swait.ge [sflag:s15], $0x4000  }
0x55: {  	s23 =	smov.u32 s26;
	[sflag:s15] =	ssyncset.done $0x0  }
0x56: {  	s23 =	sadd.s32 s22, s12;
	[sflag:s15] =	ssyncadd.s32 $0xFFFFC000  }
0x57: {  	[tilespmem:s4], [sflag:$0x2] =	stream.linear.gather [hbm4b:s23+s4], $0x80, $0x38;
	[tilespmem:$0x1C100] =	vst v63  }
0x58: {  	_ =	swait.ge [sflag:s15], $0x80  }
0x59: {  	[sflag:s15] =	ssyncset.done $0x0  }
0x5a: {  	s31 =	sadd.s32 s22, s13;
	[sflag:s15] =	ssyncadd.s32 $0xFFFFFF80  }
0x5b: {  	[tilespmem:s16], [sflag:$0x2] =	stream.linear.gather [hbm4b:s31+s4], $0x80, $0x38;
	[tilespmem:$0x1C100] =	vst v63  }
0x5c: {  	_ =	swait.ge [sflag:s15], $0x80  }
0x5d: {  	[sflag:s15] =	ssyncset.done $0x0  }
0x5e: {  	[sflag:s15] =	ssyncadd.s32 $0xFFFFFF80  }
0x5f: {  	[tilespmem:s17], [sflag:$0x1] =	stream.indirect.gather [hbm4b:s0+s16], $0x80, s4, s16, $0xb8;
	[tilespmem:$0x1C100] =	vst v63  }
0x60: {  	_ =	swait.ge [sflag:s18], $0x4000  }
0x61: {  	[sflag:s18] =	ssyncset.done $0x0  }
0x62: {  	[sflag:s18] =	ssyncadd.s32 $0xFFFFC000  }
0x63: {  	[spmem:s3] =	stream.indirect.scatter.add.f32 [tilespmem:s17], [sflag:$0x2], $0x80, s16, s16, $0xb8;
	[tilespmem:$0x1C100] =	vst v63  }
0x64: {  	_ =	swait.ge [sflag:s15], $0x4000  }
0x65: {  	s21 =	sadd.s32 $0x1, s21;
	[sflag:s15] =	ssyncset.done $0x0  }
0x66: {  	p0 =	sne.s32 s21, s11;
	[sflag:s15] =	ssyncadd.s32 $0xFFFFC000  }
.Ltmp2:
0x67: {  	[bflag:$0x0] =	sbarrier.arrive $0xFFFF;
	(pc) =	sbr.rel @p0 .LBB2_1-.Ltmp2, $4  }
0x68: {  	[hbm:s10], [sflag:s19] =	dma.local [spmem:s20], $0x2800  }
0x69: {  	_ =	swait.ge [sflag:s15], $0x2800  }
0x6a: {  	[sflag:s15] =	ssyncset.done $0x0  }
0x6b: {  	[sflag:s15] =	ssyncadd.s32 $0xFFFFD800  }
0x6c: {  	_ =	sfence.sel $0x180000  }
0x6d: {  	[bflag:$0x0] =	sbarrier.arrive $0xFFFF  }
0x6e: {  	p0 =	sne.s32 s2, $0x0;
	_ =	strace $0x9000004D  }
0x6f: {  	s0 =	sadd.s32 @!p0 $0x100000, s1;
	[bflag:$0x2] =	sbarrier.arrive $0xFFFF  }
0x70: {  	[sflag:s0] =	ssyncadd.tile.s32 @!p0 $0x1;
	_ =	shalt  }
.Lfunc_end2:
_tile_overlayer_lowered:
.L_overlay_start_2:
0x71: {  	(tag) =	ssettag $0x2  }
0x72: {  	s0 =	rddreg [dreg:$0x0];
	s2 =	stileid.u32  }
0x73: {  	s1 =	rddreg [dreg:$0x1];
	p0 =	sne.s32 s2, $0x0  }
0x74: {  	s3 =	rddreg [dreg:$0x2];
	[bflag:$0x3] =	sbarrier.arrive $0xFFFF;
	s2 =	simm.s32 @!p0 $0x1C02  }
0x75: {  	[timem:s3], [sflag:s2] =	dma.local @!p0 [hbm:s0], s1  }
0x76: {  	s0 =	simm.s32 @!p0 $0x2  }
0x77: {  	_ =	swait.ge @!p0 [sflag:s0], s1  }
0x78: {  	s1 =	ssub.s32 @!p0 $0x0, s1;
	[sflag:s0] =	ssyncset.done @!p0 $0x0  }
0x79: {  	[sflag:s0] =	ssyncadd.s32 @!p0 s1  }
0x7a: {  	[bflag:$0x3] =	sbarrier.arrive $0xFFFF  }
0x7b: {  	_ =	shalt  }

// kernel: kernel.8.cloned.1.call-start
scs
__scs_entry_jumppad:
0x0: {  	(pc) =	sbr.rel $0x88, $3  }
0x1: {  	(tag) =	ssettag $0x0;
	lr =	simm.s32 $0x1  }
0x2: {  	[smem:$0x3F93] =	sst lr;
	_ =	strace $0xD0000000  }
0x3: {  	_ = 	snop  }
0x4: {  	_ = 	snop  }
0x5: {  	_ = 	snop  }
0x6: {  	_ = 	snop  }
0x7: {  	_ = 	snop  }
__scs_overlays_trampoline_lowered:
0x8: {  	[smem:$0x3FA2] =	sst s0  }
0x9: {  	[smem:$0x3FA3] =	sst s1  }
0xa: {  	[smem:$0x3FA4] =	sst s2  }
0xb: {  	[smem:$0x3FA5] =	sst s3  }
0xc: {  	[smem:$0x3FA6] =	sst s4  }
0xd: {  	[smem:$0x3FA7] =	sst s5  }
0xe: {  	[smem:$0x3FA8] =	sst s6  }
0xf: {  	[smem:$0x3FA9] =	sst s7  }
0x10: {  	[smem:$0x3FAA] =	sst s8  }
0x11: {  	[smem:$0x3FAB] =	sst s9;
	s0 =	simm.s32 @!p0 $0x0  }
0x12: {  	s1 =	sld [smem:$0x3F91];
	s0 =	simm.s32 @p0 $0x1  }
0x13: {  	[smem:$0x3FAC] =	sst s0;
	s0 =	simm.s32 @!p1 $0x0  }
0x14: {  	s2 =	sld [smem:$0x3F90];
	s0 =	simm.s32 @p1 $0x1  }
0x15: {  	[smem:$0x3FAD] =	sst s0;
	s0 =	simm.s32 @!p2 $0x0  }
0x16: {  	s3 =	sld [smem:$0x3FDB];
	s0 =	simm.s32 @p2 $0x1  }
0x17: {  	s4 =	simm.s32 $0x1BF5;
	[smem:$0x3FAF] =	sst s0  }
0x18: {  	s0 =	sld [smem:$0x3F92];
	_ =	swait.ge [sflag:s4], $0x0  }
0x19: {  	s7 =	sld [smem:$0x3F93]  }
0x1a: {  	s8 =	sadd.s32 $0xFFFFE003, lr  }
0x1b: {  	s9 =	sadd.s32 $0xFFFFFEF7, lr;
	s5 =	simm.s32 $0xFFFFFFFF;
	p2 =	slt.u32 s8, $0xFFFFF086  }
0x1c: {  	p1 =	slt.u32 s9, $0xF7A;
	s5 =	simm.s32 @!p2 $0x0  }
0x1d: {  	s5 =	simm.s32 @p1 $0x1;
	p0 =	seq.s32 s7, s2  }
0x1e: {  	s7 =	smul.u32 @!p0 $0xF7A, s2;
	p2 =	seq.s32 @!p0 s5, $0x0  }
0x1f: {  	s9 =	smul.u32 $0xF7A, s1;
	s8 =	simm.s32 @!p0 $0x1BF5;
	p2 =	por !p2, p0  }
0x20: {  	[sflag:s8] =	ssyncset.s32 @!p0 $0xFFFFF086;
	s6 =	sadd.s32 @!p0 s3, s7;
	s7 =	simm.s32 @!p0 $0x108  }
0x21: {  	s3 =	sadd.s32 s3, s9;
	s6 =	sadd.s32 @!p0 $0x88, s6;
	s7 =	simm.s32 @p2 $0x1082  }
0x22: {  	[simem:s7], [sflag:s8] =	dma.local @!p0 [hbm:s6], $0xF7A  }
0x23: {  	s9 =	sor.u32 $0xD0000000, s2;
	s6 =	simm.s32 $0x108;
	_ =	swait.ge @!p0 [sflag:s8], $0x0  }
0x24: {  	s3 =	sadd.s32 $0x88, s3;
	s6 =	simm.s32 @!p1 $0x1082;
	[sflag:s4] =	ssyncset.s32 $0xFFFFF086  }
0x25: {  	[simem:s6], [sflag:s4] =	dma.local [hbm:s3], $0xF7A  }
0x26: {  	[smem:$0x3F93] =	sst s1;
	(tag) =	ssettag s2;
	_ =	strace s9  }
0x27: {  	s1 =	sld [smem:$0x3FA3]  }
0x28: {  	s2 =	sld [smem:$0x3FA4]  }
0x29: {  	s4 =	sld [smem:$0x3FA6]  }
0x2a: {  	p0 =	seq.s32 s5, $0x0;
	s5 =	sld [smem:$0x3FA7]  }
0x2b: {  	s6 =	sld [smem:$0x3FA8]  }
0x2c: {  	s7 =	sld [smem:$0x3FA9]  }
0x2d: {  	s3 =	simm.s32 $0x108;
	s8 =	sld [smem:$0x3FAA]  }
0x2e: {  	s3 =	simm.s32 @!p0 $0x1082;
	s9 =	sld [smem:$0x3FAB]  }
0x2f: {  	lr =	sadd.s32 s0, s3;
	s0 =	sld [smem:$0x3FA2]  }
0x30: {  	s3 =	sld [smem:$0x3FA5]  }
0x31: {  	[smem:$0x3FAE] =	sst s10  }
0x32: {  	s10 =	sld [smem:$0x3FAC];
	_ =	sdelay $0x3  }
0x33: {  	p0 =	seq.s32 s10, $0x1;
	s10 =	sld [smem:$0x3FAE];
	_ =	sdelay $0x3  }
0x34: {  	[smem:$0x3FAE] =	sst s10  }
0x35: {  	s10 =	sld [smem:$0x3FAD];
	_ =	sdelay $0x3  }
0x36: {  	p1 =	seq.s32 s10, $0x1;
	s10 =	sld [smem:$0x3FAE];
	_ =	sdelay $0x3  }
0x37: {  	[smem:$0x3FAE] =	sst s10  }
0x38: {  	s10 =	sld [smem:$0x3FAF]  }
0x39: {  	_ = 	snop;
	(pc) =	sbr.ind lr, $3  }
0x3a: {  	_ = 	snop  }
0x3b: {  	_ = 	snop  }
0x3c: {  	p2 =	seq.s32 s10, $0x1;
	s10 =	sld [smem:$0x3FAE]  }
0x3d: {  	_ =	shalt  }
0x3e: {  	_ =	shalt  }
0x3f: {  	_ =	shalt  }
0x40: {  	_ =	shalt  }
0x41: {  	_ =	shalt  }
0x42: {  	_ =	shalt  }
0x43: {  	_ =	shalt  }
0x44: {  	_ =	shalt  }
0x45: {  	_ =	shalt  }
0x46: {  	_ =	shalt  }
0x47: {  	_ =	shalt  }
0x48: {  	_ =	shalt  }
0x49: {  	_ =	shalt  }
0x4a: {  	_ =	shalt  }
0x4b: {  	_ =	shalt  }
0x4c: {  	_ =	shalt  }
0x4d: {  	_ =	shalt  }
0x4e: {  	_ =	shalt  }
0x4f: {  	_ =	shalt  }
0x50: {  	_ =	shalt  }
0x51: {  	_ =	shalt  }
0x52: {  	_ =	shalt  }
0x53: {  	_ =	shalt  }
0x54: {  	_ =	shalt  }
0x55: {  	_ =	shalt  }
0x56: {  	_ =	shalt  }
0x57: {  	_ =	shalt  }
0x58: {  	_ =	shalt  }
0x59: {  	_ =	shalt  }
0x5a: {  	_ =	shalt  }
0x5b: {  	_ =	shalt  }
0x5c: {  	_ =	shalt  }
0x5d: {  	_ =	shalt  }
0x5e: {  	_ =	shalt  }
0x5f: {  	_ =	shalt  }
0x60: {  	_ =	shalt  }
0x61: {  	_ =	shalt  }
0x62: {  	_ =	shalt  }
0x63: {  	_ =	shalt  }
0x64: {  	_ =	shalt  }
0x65: {  	_ =	shalt  }
0x66: {  	_ =	shalt  }
0x67: {  	_ =	shalt  }
0x68: {  	_ =	shalt  }
0x69: {  	_ =	shalt  }
0x6a: {  	_ =	shalt  }
0x6b: {  	_ =	shalt  }
0x6c: {  	_ =	shalt  }
0x6d: {  	_ =	shalt  }
0x6e: {  	_ =	shalt  }
0x6f: {  	_ =	shalt  }
0x70: {  	_ =	shalt  }
0x71: {  	_ =	shalt  }
0x72: {  	_ =	shalt  }
0x73: {  	_ =	shalt  }
0x74: {  	_ =	shalt  }
0x75: {  	_ =	shalt  }
0x76: {  	_ =	shalt  }
0x77: {  	_ =	shalt  }
0x78: {  	_ =	shalt  }
0x79: {  	_ =	shalt  }
0x7a: {  	_ =	shalt  }
0x7b: {  	_ =	shalt  }
0x7c: {  	_ =	shalt  }
0x7d: {  	_ =	shalt  }
0x7e: {  	_ =	shalt  }
0x7f: {  	_ =	shalt  }
0x80: {  	_ =	shalt  }
0x81: {  	_ =	shalt  }
0x82: {  	_ =	shalt  }
0x83: {  	_ =	shalt  }
0x84: {  	_ =	shalt  }
0x85: {  	_ =	shalt  }
0x86: {  	_ =	shalt  }
0x87: {  	_ =	shalt  }
.Lfunc_end0:
.L_simem_size_0:
called_computation_lowered:
.L_overlay_start_0:
0x88: {  	s2 =	sld [smem:$0x3FD9]  }
0x89: {  	s3 =	sld [smem:$0x3FFE];
	_ =	sdelay $0x1  }
0x8a: {  	s1 =	srdreg.scid  }
0x8b: {  	s0 =	sand.u32 $0x1, s1  }
0x8c: {  	s17 =	sshll.u32 s0, $0xA;
	s2 =	sadd.s32 s3, s2  }
0x8d: {  	s2 =	sadd.s32 s2, s17  }
0x8e: {  	[smem:$0x3FBA] =	sst s2  }
0x8f: {  	_ = 	snop  }
0x90: {  	s2 =	sld [smem:$0x3FD0];
	(tm) =	ssettm $0x1  }
0x91: {  	s18 =	sld [smem:$0x3FFB];
	_ =	sdelay $0x3  }
0x92: {  	_ =	strace s18  }
0x93: {  	s3 =	sld [smem:$0x3FFC];
	_ =	sdelay $0x3  }
0x94: {  	_ =	strace s3  }
0x95: {  	s3 =	sld [smem:$0x3FFD];
	_ =	sdelay $0x3  }
0x96: {  	_ =	strace s3  }
0x97: {  	_ =	strace $0x8FFFFFFF  }
0x98: {  	s19 =	sld [smem:$0x3FDB];
	_ =	sdelay $0x1  }
0x99: {  	s4 =	simm.s32 $_scs_section_size  }
0x9a: {  	s5 =	simm.s32 $_size__tile_overlayer_lowered;
	s6 =	simm.s32 $_tile_overlayer_lowered  }
0x9b: {  	s22 =	simm.s32 $0x1BFF;
	s21 =	sshll.u32 s6, $0x1;
	s3 =	sadd.s32 s4, s19  }
0x9c: {  	s7 =	simm.s32 $0x0;
	s20 =	sshll.u32 s5, $0x1;
	s5 =	sadd.s32 s21, s3  }
0x9d: {  	[timem:s7], [sflag:s22] =	dma.local [hbm:s5], s20  }
0x9e: {  	_ =	swait.ge [sflag:s22], s20  }
0x9f: {  	s4 =	ssub.s32 $0x0, s20;
	[sflag:s22] =	ssyncset.done $0x0  }
0xa0: {  	[sflag:s22] =	ssyncadd.s32 s4;
	_ =	sdelay $0x1  }
0xa1: {  	s23 =	simm.s32 $0x1B8B  }
0xa2: {  	_ =	swait.ge [sflag:s23], $0x1  }
0xa3: {  	[sflag:s23] =	ssyncset.done $0x0  }
0xa4: {  	s25 =	simm.s32 $0x1B8E;
	s24 =	sld [smem:$0x3FFE];
	[sflag:s23] =	ssyncadd.s32 $0xFFFFFFFF  }
0xa5: {  	s26 =	simm.s32 $execute0_lowered;
	[smem:$0x3FD2] =	sst s25  }
0xa6: {  	s5 =	sshll.u32 s26, $0x1;
	_ =	strace $0x80000046;
	[dreg:$0x1] =	wrdreg $0xFFFFFFFF  }
0xa7: {  	s28 =	simm.s32 $_size_execute0_lowered;
	s3 =	sadd.s32 s3, s5;
	[dreg:$0x0] =	wrdreg $0x0  }
0xa8: {  	s5 =	sshll.u32 s28, $0x1;
	[dreg:$0x2] =	wrdreg s3  }
0xa9: {  	[dreg:$0x3] =	wrdreg s5  }
0xaa: {  	[dreg:$0x4] =	wrdreg $0xC0  }
0xab: {  	_ =	task [dreg:s7], $0x5FFFF  }
0xac: {  	[dreg:$0x1] =	wrdreg $0xFFFFFFFF  }
0xad: {  	[dreg:$0x0] =	wrdreg $0x60  }
0xae: {  	[dreg:$0x2] =	wrdreg s2  }
0xaf: {  	[dreg:$0x3] =	wrdreg s24  }
0xb0: {  	[dreg:$0x4] =	wrdreg $0x80800  }
0xb1: {  	[dreg:$0x5] =	wrdreg $0x9  }
0xb2: {  	_ =	task.clear_ibuf [dreg:s7], $0x6FFFF;
	_ =	strace $0x90000046  }
0xb3: {  	s29 =	simm.s32 $0x9;
	_ =	strace $0x80000048  }
0xb4: {  	_ =	swait.ge [sflag:s29], $0x1  }
0xb5: {  	[sflag:s29] =	ssyncadd.s32 $0xFFFFFFFF  }
0xb6: {  	_ =	strace $0x90000048  }
0xb7: {  	_ =	sfence  }
0xb8: {  	s30 =	sld [smem:$0x0];
	_ =	sdelay $0x2  }
0xb9: {  	s31 =	sshll.u32 s1, $0xD;
	s1 =	sshrl.u32 s1, $0x2  }
0xba: {  	s3 =	sand.u32 $0x4000, s31;
	s1 =	sadd.s32 s1, s30  }
0xbb: {  	s0 =	sor.u32 s3, s0;
	s1 =	sshll.u32 s1, $0x11  }
0xbc: {  	s0 =	sor.u32 s1, s0  }
0xbd: {  	s0 =	sadd.s32 $0x8F2B, s0  }
0xbe: {  	[sflag:s0] =	ssyncadd.remote.s32 $0x1  }
0xbf: {  	_ =	sfence.sel $0xFFFF  }
0xc0: {  	[dreg:$0x0] =	wrdreg $0xFFFFFFFF;
	(pc) =	sbr.abs _section_cstart, $3  }
0xc1: {  	[dreg:$0x1] =	wrdreg $0xFFFFFFFF  }
0xc2: {  	_ =	task.clear_ibuf [dreg:s7], $0x2FFFF;
	_ =	strace $0x9FFFFFFF  }
0xc3: {  	(tm) =	ssettm $0x7FFFFFFF  }
tec
execute0_lowered:
.L_overlay_start_1:
0x0: {  	(tag) =	ssettag $0x1  }
0x1: {  	s10 =	rddreg [dreg:$0x0]  }
0x2: {  	s4 =	rddreg [dreg:$0x1];
	s0 =	srdreg.scid  }
0x3: {  	s2 =	rddreg [dreg:$0x2];
	s1 =	stileid.u32  }
0x4: {  	s3 =	simm.s32 $0x0;
	s14 =	simm.s32 $0x80;
	s6 =	smul.u32 $0x14000, s1  }
0x5: {  	s8 =	sand.u32 $0x1, s0;
	s0 =	rddreg [dreg:$0x3];
	s7 =	smul.u32 $0x50000, s1  }
0x6: {  	s17 =	simm.s32 $0x0;
	[smem:$0x7FF] =	sst s3;
	s12 =	smul.u32 $0x9E0, s1  }
0x7: {  	s15 =	sshll.u32 s1, $0x6;
	s5 =	smul.u32 $0x140000, s8;
	_ =	strace $0x80000047  }
0x8: {  	s30 =	ssub.s32 $0x2, s8;
	s13 =	smul.u32 $0x4F0, s8;
	s15 =	sor.u32 $0x1C01, s15  }
0x9: {  	s7 =	sshrl.u32 s7, $0x2;
	s31 =	sshrl.u32 s30, $0x1;
	s5 =	sadd.s32 s6, s5  }
0xa: {  	s12 =	sadd.s32 s12, s10;
	s11 =	ssub.s32 s30, s31;
	s5 =	sshrl.u32 s5, $0x3  }
0xb: {  	s10 =	smax.u32 s11, $0x1;
	s11 =	sadd.s32 s13, s12;
	s12 =	simm.s32 $0x4080  }
0xc: {  	s13 =	simm.s32 $0x1;
	s9 =	sadd.s32 s5, s4;
	s4 =	sadd.s32 s7, s2  }
0xd: {  	s5 =	sadd.s32 $0x4000, s4;
	s6 =	sadd.s32 $0x8000, s4;
	s7 =	sadd.s32 $0xC000, s4  }
0xe: {  	v0 =	vimm.f32 $1.000000000e+00;
	v1 =	vimm.f32 $0.0e+00;
	s8 =	sadd.s32 $0x10000, s4;
	s9 =	sadd.s32 $0x17200, s9;
	s16 =	sshrl.u32 s4, $0x3  }
.LBB2_1:
0xf: {  	s18 =	simm.s32 $0x200;
	s19 =	simm.s32 $0x0  }
.LBB2_2:
0x10: {  	p0 =	sne.s32 s18, $0xFE00;
	[tilespmem:s19+$0x80] =	vst v0;
	s20 =	smov.u32 s18;
	s18 =	sadd.s32 $0x200, s18  }
.Ltmp0:
0x11: {  	[tilespmem:s19+$0x4080] =	vst v1;
	(pc) =	sbr.rel @p0 .LBB2_2-.Ltmp0, $2  }
0x12: {  	_ =	sdelay $0x2  }
0x13: {  	s19 =	sshra.s32 s20, $0x2  }
0x14: {  	[tilespmem:s19+$0x80] =	vst v0  }
0x15: {  	[tilespmem:s19+$0x4080] =	vst v1  }
0x16: {  	[spmem:s4] =	stream.linear.scatter [tilespmem:s12], [sflag:$0x1], $0x4000, $0x38;
	[tilespmem:$0xA880] =	vst v63  }
0x17: {  	_ =	swait.ge [sflag:s13], $0x4000  }
0x18: {  	[sflag:s13] =	ssyncset.done $0x0  }
0x19: {  	[sflag:s13] =	ssyncadd.s32 $0xFFFFC000  }
0x1a: {  	[spmem:s5] =	stream.linear.scatter [tilespmem:s12], [sflag:$0x1], $0x4000, $0x38;
	[tilespmem:$0xA880] =	vst v63  }
0x1b: {  	_ =	swait.ge [sflag:s13], $0x4000  }
0x1c: {  	[sflag:s13] =	ssyncset.done $0x0  }
0x1d: {  	[sflag:s13] =	ssyncadd.s32 $0xFFFFC000  }
0x1e: {  	[spmem:s6] =	stream.linear.scatter [tilespmem:s12], [sflag:$0x1], $0x4000, $0x38;
	[tilespmem:$0xA880] =	vst v63  }
0x1f: {  	_ =	swait.ge [sflag:s13], $0x4000  }
0x20: {  	[sflag:s13] =	ssyncset.done $0x0  }
0x21: {  	[sflag:s13] =	ssyncadd.s32 $0xFFFFC000  }
0x22: {  	[spmem:s7] =	stream.linear.scatter [tilespmem:s12], [sflag:$0x1], $0x4000, $0x38;
	[tilespmem:$0xA880] =	vst v63  }
0x23: {  	_ =	swait.ge [sflag:s13], $0x4000  }
0x24: {  	[sflag:s13] =	ssyncset.done $0x0  }
0x25: {  	[sflag:s13] =	ssyncadd.s32 $0xFFFFC000  }
0x26: {  	[spmem:s8] =	stream.linear.scatter [tilespmem:s12], [sflag:$0x1], $0x4000, $0x38;
	[tilespmem:$0xA880] =	vst v63  }
0x27: {  	_ =	swait.ge [sflag:s13], $0x4000  }
0x28: {  	[sflag:s13] =	ssyncset.done $0x0  }
0x29: {  	[sflag:s13] =	ssyncadd.s32 $0xFFFFC000  }
0x2a: {  	s18 =	sadd.s32 $0x0, s11;
	[bflag:$0x0] =	sbarrier.arrive $0xFFFF  }
0x2b: {  	[tilespmem:s3], [sflag:$0x1] =	stream.linear.gather [hbm4b:s18+s3], $0x80, $0x38;
	[tilespmem:$0xA880] =	vst v63  }
0x2c: {  	_ =	swait.ge [sflag:s13], $0x80  }
0x2d: {  	[sflag:s13] =	ssyncset.done $0x0  }
0x2e: {  	[sflag:s13] =	ssyncadd.s32 $0xFFFFFF80  }
0x2f: {  	[spmem:s2] =	stream.indirect.scatter.add.f32 [tilespmem:s14], [sflag:$0x1], $0x10, s3, s14, $0xb8;
	[tilespmem:$0xA880] =	vst v63  }
0x30: {  	_ =	swait.ge [sflag:s13], $0x800  }
0x31: {  	s19 =	simm.s32 $0x20;
	s18 =	simm.s32 $0x10;
	[sflag:s13] =	ssyncset.done $0x0  }
.LBB2_4:
0x32: {  	s20 =	sadd.s32 s18, s11  }
0x33: {  	[sflag:s13] =	ssyncadd.s32 $0xFFFFF800;
	s18 =	smov.u32 s19;
	s21 =	sadd.s32 $0x10, s19  }
0x34: {  	[tilespmem:s3], [sflag:$0x1] =	stream.linear.gather [hbm4b:s20+s3], $0x80, $0x38;
	[tilespmem:$0xA880] =	vst v63  }
0x35: {  	p0 =	sne.s32 s19, $0x4E0;
	_ =	swait.ge [sflag:s13], $0x80  }
.Ltmp1:
0x36: {  	[sflag:s13] =	ssyncset.done $0x0;
	(pc) =	sbr.rel @p0 .LBB2_4-.Ltmp1, $4  }
0x37: {  	[sflag:s13] =	ssyncadd.s32 $0xFFFFFF80  }
0x38: {  	[spmem:s2] =	stream.indirect.scatter.add.f32 [tilespmem:s14], [sflag:$0x1], $0x10, s3, s14, $0xb8;
	[tilespmem:$0xA880] =	vst v63  }
0x39: {  	_ =	swait.ge [sflag:s13], $0x800  }
0x3a: {  	s19 =	smov.u32 s21;
	[sflag:s13] =	ssyncset.done $0x0  }
0x3b: {  	s18 =	sadd.s32 s18, s11;
	[sflag:s13] =	ssyncadd.s32 $0xFFFFF800  }
0x3c: {  	[tilespmem:s3], [sflag:$0x1] =	stream.linear.gather [hbm4b:s18+s3], $0x80, $0x38;
	[tilespmem:$0xA880] =	vst v63  }
0x3d: {  	_ =	swait.ge [sflag:s13], $0x80  }
0x3e: {  	[sflag:s13] =	ssyncset.done $0x0  }
0x3f: {  	[sflag:s13] =	ssyncadd.s32 $0xFFFFFF80  }
0x40: {  	[spmem:s2] =	stream.indirect.scatter.add.f32 [tilespmem:s14], [sflag:$0x1], $0x10, s3, s14, $0xb8;
	[tilespmem:$0xA880] =	vst v63  }
0x41: {  	_ =	swait.ge [sflag:s13], $0x800  }
0x42: {  	s17 =	sadd.s32 $0x1, s17;
	[sflag:s13] =	ssyncset.done $0x0  }
0x43: {  	p0 =	sne.s32 s17, s10;
	[sflag:s13] =	ssyncadd.s32 $0xFFFFF800  }
.Ltmp2:
0x44: {  	[bflag:$0x0] =	sbarrier.arrive $0xFFFF;
	(pc) =	sbr.rel @p0 .LBB2_1-.Ltmp2, $4  }
0x45: {  	[hbm:s9], [sflag:s15] =	dma.local [spmem:s16], $0x2800  }
0x46: {  	_ =	swait.ge [sflag:s13], $0x2800  }
0x47: {  	[sflag:s13] =	ssyncset.done $0x0  }
0x48: {  	[sflag:s13] =	ssyncadd.s32 $0xFFFFD800  }
0x49: {  	_ =	sfence.sel $0x180000  }
0x4a: {  	[bflag:$0x0] =	sbarrier.arrive $0xFFFF  }
0x4b: {  	p0 =	sne.s32 s1, $0x0;
	_ =	strace $0x90000047  }
0x4c: {  	s0 =	sadd.s32 @!p0 $0x100000, s0;
	[bflag:$0x2] =	sbarrier.arrive $0xFFFF  }
0x4d: {  	[sflag:s0] =	ssyncadd.tile.s32 @!p0 $0x1;
	_ =	shalt  }
.Lfunc_end2:
_tile_overlayer_lowered:
.L_overlay_start_2:
0x4e: {  	(tag) =	ssettag $0x2  }
0x4f: {  	s0 =	rddreg [dreg:$0x0];
	s2 =	stileid.u32  }
0x50: {  	s1 =	rddreg [dreg:$0x1];
	p0 =	sne.s32 s2, $0x0  }
0x51: {  	s3 =	rddreg [dreg:$0x2];
	[bflag:$0x3] =	sbarrier.arrive $0xFFFF;
	s2 =	simm.s32 @!p0 $0x1C01  }
0x52: {  	[timem:s3], [sflag:s2] =	dma.local @!p0 [hbm:s0], s1  }
0x53: {  	s0 =	simm.s32 @!p0 $0x1  }
0x54: {  	_ =	swait.ge @!p0 [sflag:s0], s1  }
0x55: {  	s1 =	ssub.s32 @!p0 $0x0, s1;
	[sflag:s0] =	ssyncset.done @!p0 $0x0  }
0x56: {  	[sflag:s0] =	ssyncadd.s32 @!p0 s1  }
0x57: {  	[bflag:$0x3] =	sbarrier.arrive $0xFFFF  }
0x58: {  	_ =	shalt  }

</sc_bundles>
